<compile_context>
chip_gen: v7x
topology: tpu7x:2x2x1
jax: 0.10.2.dev20260603
libtpu: 0.0.44.dev20260713+nightly
codegen_flags: <defaults>
</compile_context>

<pallas_src>
import jax
import jax.numpy as jnp
from jax import lax
from jax.experimental import pallas as pl
from jax.experimental.pallas import tpu as pltpu
from jax.experimental.pallas import tpu_sc as plsc

N_NODES = 10000
D = 128
N_EDGES = 320000

_NC = 2
_NS = 16
_NW = _NC * _NS
_EPW = N_EDGES // _NW
_K = 80
_NCHUNK = _EPW // _K
_RPT = 624
_TAIL0 = _NS * _RPT
_TAIL = N_NODES - _TAIL0


def _sc_body(h_hbm, ei_hbm, out_hbm, idx_s, idx_d, rows, acc, gsem, ssem):
    c = lax.axis_index("c")
    s = lax.axis_index("s")
    w = s * _NC + c
    row0 = s * _RPT

    isrc = pltpu.async_copy(ei_hbm.at[pl.ds(w * _EPW, _EPW)], idx_s, gsem[0])
    idst = pltpu.async_copy(ei_hbm.at[pl.ds(N_EDGES + w * _EPW, _EPW)],
                            idx_d, gsem[1])

    def _gather(i, b):
        pltpu.async_copy(h_hbm.at[idx_s.at[pl.ds(i * _K, _K)]], rows[b], gsem[b])

    def _gwait(i, b):
        pltpu.make_async_copy(h_hbm.at[idx_s.at[pl.ds(i * _K, _K)]],
                              rows[b], gsem[b]).wait()

    def _scatter(i, b):
        pltpu.async_copy(rows[b], acc.at[idx_d.at[pl.ds(i * _K, _K)]],
                         ssem[b], add=True)

    def _swait(i, b):
        pltpu.make_async_copy(rows[b], acc.at[idx_d.at[pl.ds(i * _K, _K)]],
                              ssem[b]).wait()

    z = jnp.zeros((16,), jnp.float32)

    def _zfill(i, _):
        for j in range(D // 16):
            rows[0][i, pl.ds(j * 16, 16)] = z
        return 0

    lax.fori_loop(0, _K, _zfill, 0)
    isrc.wait()
    idst.wait()
    for t in range(_RPT // _K):
        pltpu.sync_copy(rows[0], acc.at[pl.ds(row0 + t * _K, _K)])
    pltpu.sync_copy(rows[0].at[pl.ds(0, _RPT % _K)],
                    acc.at[pl.ds(row0 + (_RPT // _K) * _K, _RPT % _K)])

    @pl.when(s == 0)
    def _zero_tail():
        pltpu.sync_copy(rows[0].at[pl.ds(0, _TAIL)],
                        acc.at[pl.ds(_TAIL0, _TAIL)])

    plsc.subcore_barrier()

    _gather(0, 0)
    _gather(1, 1)
    _gwait(0, 0)
    _scatter(0, 0)
    _gather(2, 2)
    _gwait(1, 1)
    _scatter(1, 1)
    _swait(0, 0)
    _gather(3, 0)

    def _step(i, b):
        _gwait(i, b)
        _scatter(i, b)
        _swait(i - 1, (b + 2) % 3)
        _gather(i + 2, (b + 2) % 3)

    def _body(j, _):
        i = 3 * j + 2
        _step(i, 2)
        _step(i + 1, 0)
        _step(i + 2, 1)
        return 0

    _L = (_NCHUNK - 4) // 3
    lax.fori_loop(0, _L, _body, 0)
    for i in range(2 + 3 * _L, _NCHUNK):
        _gwait(i, i % 3)
        _scatter(i, i % 3)
        _swait(i - 1, (i - 1) % 3)
        if i + 2 < _NCHUNK:
            _gather(i + 2, (i + 2) % 3)
    _swait(_NCHUNK - 1, (_NCHUNK - 1) % 3)
    plsc.subcore_barrier()
    pltpu.sync_copy(acc.at[pl.ds(row0, _RPT)], out_hbm.at[c, pl.ds(row0, _RPT)])

    @pl.when(s == 0)
    def _copy_tail():
        pltpu.sync_copy(acc.at[pl.ds(_TAIL0, _TAIL)],
                        out_hbm.at[c, pl.ds(_TAIL0, _TAIL)])


def _sc_segment_sum(h, ei):
    mesh = plsc.VectorSubcoreMesh(core_axis_name="c", subcore_axis_name="s")
    f = pl.kernel(
        _sc_body,
        out_type=jax.ShapeDtypeStruct((_NC, N_NODES, D), jnp.float32),
        mesh=mesh,
        scratch_types=[
            pltpu.VMEM((_EPW,), jnp.int32),
            pltpu.VMEM((_EPW,), jnp.int32),
            [pltpu.VMEM((_K, D), jnp.float32) for _ in range(3)],
            pltpu.VMEM_SHARED((N_NODES, D), jnp.float32),
            [pltpu.SemaphoreType.DMA for _ in range(3)],
            [pltpu.SemaphoreType.DMA for _ in range(3)],
        ],
    )
    return f(h, ei)


_BLK = 5000


def _pre_body(x_ref, w_ref, b_ref, p_ref):
    p_ref[...] = jnp.dot(x_ref[...], w_ref[...]) + b_ref[...]


def _mid_body(h_ref, w_ref, b_ref, wl_ref, bl_ref, p_ref, part_ref):
    h = h_ref[...]
    p_ref[...] = jnp.dot(h, w_ref[...]) + b_ref[...]
    part_ref[...] = jnp.dot(h, wl_ref[...]) + bl_ref[...]


def _l0_body(p_ref, a_ref, w1_ref, w2_ref, b2_ref, h_ref):
    t = jnp.maximum(p_ref[...] + jnp.dot(a_ref[0] + a_ref[1], w1_ref[...]), 0.0)
    h_ref[...] = jnp.maximum(jnp.dot(t, w2_ref[...]) + b2_ref[...], 0.0)


def _l1_body(p_ref, a_ref, w1_ref, w2_ref, b2_ref, wl_ref, part_ref, out_ref):
    t = jnp.maximum(p_ref[...] + jnp.dot(a_ref[0] + a_ref[1], w1_ref[...]), 0.0)
    h2 = jnp.maximum(jnp.dot(t, w2_ref[...]) + b2_ref[...], 0.0)
    logits = part_ref[...] + jnp.dot(h2, wl_ref[...])
    m = jnp.max(logits, axis=1, keepdims=True)
    lse = jnp.log(jnp.sum(jnp.exp(logits - m), axis=1, keepdims=True)) + m
    out_ref[...] = logits - lse


def _row_spec():
    return pl.BlockSpec((_BLK, D), lambda i: (i, 0))


def _agg_spec():
    return pl.BlockSpec((_NC, _BLK, D), lambda i: (0, i, 0))


def _full_spec(r, c):
    return pl.BlockSpec((r, c), lambda i: (0, 0))


_GRID = (N_NODES // _BLK,)
_F32 = jax.ShapeDtypeStruct((N_NODES, D), jnp.float32)


def kernel(x, edge_index, W01, b01, W02, b02, W11, b11, W12, b12, Wl, bl):
    ei = edge_index.astype(jnp.int32).reshape(2 * N_EDGES)
    b01r = b01.reshape(1, D)
    b02r = b02.reshape(1, D)
    b11r = b11.reshape(1, D)
    b12r = b12.reshape(1, D)
    blr = bl.reshape(1, D)
    Wl_top = Wl[:D]
    Wl_bot = Wl[D:]

    agg0 = _sc_segment_sum(x, ei)
    p0 = pl.pallas_call(
        _pre_body, grid=_GRID,
        in_specs=[_row_spec(), _full_spec(D, D), _full_spec(1, D)],
        out_specs=_row_spec(), out_shape=_F32,
    )(x, W01, b01r)

    h1 = pl.pallas_call(
        _l0_body, grid=_GRID,
        in_specs=[_row_spec(), _agg_spec(), _full_spec(D, D),
                  _full_spec(D, D), _full_spec(1, D)],
        out_specs=_row_spec(), out_shape=_F32,
    )(p0, agg0, W01, W02, b02r)

    agg1 = _sc_segment_sum(h1, ei)
    p1, part = pl.pallas_call(
        _mid_body, grid=_GRID,
        in_specs=[_row_spec(), _full_spec(D, D), _full_spec(1, D),
                  _full_spec(D, D), _full_spec(1, D)],
        out_specs=[_row_spec(), _row_spec()], out_shape=[_F32, _F32],
    )(h1, W11, b11r, Wl_top, blr)

    out = pl.pallas_call(
        _l1_body, grid=_GRID,
        in_specs=[_row_spec(), _agg_spec(), _full_spec(D, D),
                  _full_spec(D, D), _full_spec(1, D), _full_spec(D, D),
                  _row_spec()],
        out_specs=_row_spec(), out_shape=_F32,
    )(p1, agg1, W11, W12, b12r, Wl_bot, part)
    return out

# --- scband reference (transcript-rebuilt; emitter-appended) ---
"""Pipeline reference for scband-surrogate-gin-85985245266464 (READ-ONLY COPY).

The authoritative reference and input builder live on the scoring server;
editing this copy changes nothing except your own understanding.
"""

import jax, jax.numpy as jnp
import numpy as np

N_NODES = 10000
D_IN = 128
D_HID = 128
D_OUT = 128
N_EDGES = 320000


def setup_inputs(seed: int = 0) -> dict:
    key = jax.random.key(seed)
    ks = jax.random.split(key, 16)
    x = jax.random.normal(ks[0], (N_NODES, D_IN), dtype=jnp.float32)
    edge_index = jax.random.randint(ks[1], (2, N_EDGES), 0, N_NODES, dtype=jnp.int64)
    s = 1.0 / np.sqrt(D_IN)
    sh = 1.0 / np.sqrt(D_HID)
    # GIN layer 0 MLP: Linear(D_IN->D_HID), ReLU, Linear(D_HID->D_HID)
    W01 = jax.random.uniform(ks[2], (D_IN, D_HID), jnp.float32, -s, s)
    b01 = jax.random.uniform(ks[3], (D_HID,), jnp.float32, -s, s)
    W02 = jax.random.uniform(ks[4], (D_HID, D_HID), jnp.float32, -sh, sh)
    b02 = jax.random.uniform(ks[5], (D_HID,), jnp.float32, -sh, sh)
    # GIN layer 1 MLP: Linear(D_HID->D_HID), ReLU, Linear(D_HID->D_HID)
    W11 = jax.random.uniform(ks[6], (D_HID, D_HID), jnp.float32, -sh, sh)
    b11 = jax.random.uniform(ks[7], (D_HID,), jnp.float32, -sh, sh)
    W12 = jax.random.uniform(ks[8], (D_HID, D_HID), jnp.float32, -sh, sh)
    b12 = jax.random.uniform(ks[9], (D_HID,), jnp.float32, -sh, sh)
    # final classifier: Linear(D_HID*2 -> D_OUT)
    sc = 1.0 / np.sqrt(D_HID * 2)
    Wl = jax.random.uniform(ks[10], (D_HID * 2, D_OUT), jnp.float32, -sc, sc)
    bl = jax.random.uniform(ks[11], (D_OUT,), jnp.float32, -sc, sc)
    return {"x": x, "edge_index": edge_index, "W01": W01, "b01": b01,
            "W02": W02, "b02": b02, "W11": W11, "b11": b11,
            "W12": W12, "b12": b12, "Wl": Wl, "bl": bl}


def _gin_conv(x, src, dst, W1, b1, W2, b2, eps=0.0):
    # GINConv: mlp((1 + eps) * x + sum_{j in N(i)} x_j)
    agg = jnp.zeros_like(x).at[dst].add(x[src])
    h = (1.0 + eps) * x + agg
    h = jnp.maximum(h @ W1 + b1, 0.0)
    h = h @ W2 + b2
    return h


def reference(x, edge_index, W01, b01, W02, b02, W11, b11, W12, b12, Wl, bl):
    src = edge_index[0]
    dst = edge_index[1]
    hs = []
    h = x
    # layer 0
    h = _gin_conv(h, src, dst, W01, b01, W02, b02)
    h = jnp.maximum(h, 0.0)  # ReLU; dropout is identity in eval mode
    hs.append(h)
    # layer 1
    h = _gin_conv(h, src, dst, W11, b11, W12, b12)
    h = jnp.maximum(h, 0.0)
    hs.append(h)
    h_cat = jnp.concatenate(hs, axis=1)
    logits = h_cat @ Wl + bl
    return jax.nn.log_softmax(logits, axis=1)

if __name__ == "__main__":
    import jax
    _d = setup_inputs()
    print(jax.jit(kernel)(*tuple(_d.values())))

</pallas_src>

<mosaic_0001>
#map = affine_map<(d0, d1) -> (0, 0)>
#map1 = affine_map<(d0, d1) -> (0)>
#map2 = affine_map<(d0, d1) -> (0, 0, 0)>
module attributes {stable_mosaic.version = 14 : i64} {
  func.func @_sc_body(%arg0: i32, %arg1: i32, %arg2: memref<10000x128xf32, #tpu.memory_space<hbm>>, %arg3: memref<640000xi32, #tpu.memory_space<hbm>>, %arg4: memref<2x10000x128xf32, #tpu.memory_space<hbm>>, %arg5: memref<10000xi32, #tpu.memory_space<vmem>>, %arg6: memref<10000xi32, #tpu.memory_space<vmem>>, %arg7: memref<80x128xf32, #tpu.memory_space<vmem>>, %arg8: memref<80x128xf32, #tpu.memory_space<vmem>>, %arg9: memref<80x128xf32, #tpu.memory_space<vmem>>, %arg10: memref<10000x128xf32, #tpu.memory_space<vmem_shared>>, %arg11: memref<!tpu.dma_semaphore, #tpu.memory_space<semaphore_mem>>, %arg12: memref<!tpu.dma_semaphore, #tpu.memory_space<semaphore_mem>>, %arg13: memref<!tpu.dma_semaphore, #tpu.memory_space<semaphore_mem>>, %arg14: memref<!tpu.dma_semaphore, #tpu.memory_space<semaphore_mem>>, %arg15: memref<!tpu.dma_semaphore, #tpu.memory_space<semaphore_mem>>, %arg16: memref<!tpu.dma_semaphore, #tpu.memory_space<semaphore_mem>>) attributes {dimension_semantics = [#tpu.dimension_semantics<core_parallel>, #tpu.dimension_semantics<subcore_parallel>], iteration_bounds = array<i64: 2, 16>, scalar_prefetch = 0 : i64, scratch_operands = 12 : i64, tpu.core_type = #tpu.core_type<sc_vector_subcore>, window_params = [{transform_indices = #map}, {transform_indices = #map1}, {transform_indices = #map2}]} {
    %mul3A = arith.constant 2 : i32
    %mul3A_0 = arith.muli %arg1, %mul3A : i32
    %add3A = arith.addi %mul3A_0, %arg0 : i32
    %mul3A_1 = arith.constant 624 : i32
    %mul3A_2 = arith.muli %arg1, %mul3A_1 : i32
    %mul3A_3 = arith.constant 10000 : i32
    %mul3A_4 = arith.muli %add3A, %mul3A_3 : i32
    %dma_start3A = tpu.memref_slice %arg3[%mul3A_4] : memref<640000xi32, #tpu.memory_space<hbm>> -> memref<10000xi32, #tpu.memory_space<hbm>>
    %dma_start3A_5 = tpu.memref_slice %arg3[%mul3A_4] : memref<640000xi32, #tpu.memory_space<hbm>> -> memref<10000xi32, #tpu.memory_space<hbm>>
    tpu.enqueue_dma source(%dma_start3A_5 : memref<10000xi32, #tpu.memory_space<hbm>>) target(%arg5 : memref<10000xi32, #tpu.memory_space<vmem>>) target_semaphore(%arg11 : memref<!tpu.dma_semaphore, #tpu.memory_space<semaphore_mem>>)
    %mul3A_6 = arith.constant 10000 : i32
    %mul3A_7 = arith.muli %add3A, %mul3A_6 : i32
    %add3A_8 = arith.constant 320000 : i32
    %add3A_9 = arith.addi %add3A_8, %mul3A_7 : i32
    %dma_start3A_10 = tpu.memref_slice %arg3[%add3A_9] : memref<640000xi32, #tpu.memory_space<hbm>> -> memref<10000xi32, #tpu.memory_space<hbm>>
    %dma_start3A_11 = tpu.memref_slice %arg3[%add3A_9] : memref<640000xi32, #tpu.memory_space<hbm>> -> memref<10000xi32, #tpu.memory_space<hbm>>
    tpu.enqueue_dma source(%dma_start3A_11 : memref<10000xi32, #tpu.memory_space<hbm>>) target(%arg6 : memref<10000xi32, #tpu.memory_space<vmem>>) target_semaphore(%arg12 : memref<!tpu.dma_semaphore, #tpu.memory_space<semaphore_mem>>)
    %broadcast_in_dim3A = arith.constant 0.000000e+00 : f32
    %broadcast_in_dim3A_12 = vector.broadcast %broadcast_in_dim3A : f32 to vector<16xf32>
    %scan3A = arith.constant 0 : i32
    %scan3A_13 = arith.constant 0 : i32
    %scan3A_14 = arith.constant 80 : i32
    %scan3A_15 = arith.addi %scan3A_13, %scan3A_14 : i32
    %scan3A_16 = arith.constant 1 : i32
    %scan3A_17 = scf.for %scan3A_153 = %scan3A_13 to %scan3A_15 step %scan3A_16 iter_args(%scan3A_154 = %scan3A) -> (i32)  : i32 {
      %swap3A = arith.index_cast %scan3A_153 : i32 to index
      %swap3A_155 = arith.constant 0 : index
      %swap3A_156 = tpu.vector_load %arg7[%swap3A, %swap3A_155] {strides = array<i32>} : memref<80x128xf32, #tpu.memory_space<vmem>>, vector<1x16xf32>,
      %swap3A_157 = vector.shape_cast %swap3A_156 : vector<1x16xf32> to vector<16xf32>
      %swap3A_158 = vector.shape_cast %broadcast_in_dim3A_12 : vector<16xf32> to vector<1x16xf32>
      tpu.vector_store %arg7[%swap3A, %swap3A_155], %swap3A_158 {strides = array<i32>} : memref<80x128xf32, #tpu.memory_space<vmem>>, vector<1x16xf32>,
      %swap3A_159 = arith.index_cast %scan3A_153 : i32 to index
      %swap3A_160 = arith.constant 16 : index
      %swap3A_161 = tpu.vector_load %arg7[%swap3A_159, %swap3A_160] {strides = array<i32>} : memref<80x128xf32, #tpu.memory_space<vmem>>, vector<1x16xf32>,
      %swap3A_162 = vector.shape_cast %swap3A_161 : vector<1x16xf32> to vector<16xf32>
      %swap3A_163 = vector.shape_cast %broadcast_in_dim3A_12 : vector<16xf32> to vector<1x16xf32>
      tpu.vector_store %arg7[%swap3A_159, %swap3A_160], %swap3A_163 {strides = array<i32>} : memref<80x128xf32, #tpu.memory_space<vmem>>, vector<1x16xf32>,
      %swap3A_164 = arith.index_cast %scan3A_153 : i32 to index
      %swap3A_165 = arith.constant 32 : index
      %swap3A_166 = tpu.vector_load %arg7[%swap3A_164, %swap3A_165] {strides = array<i32>} : memref<80x128xf32, #tpu.memory_space<vmem>>, vector<1x16xf32>,
      %swap3A_167 = vector.shape_cast %swap3A_166 : vector<1x16xf32> to vector<16xf32>
      %swap3A_168 = vector.shape_cast %broadcast_in_dim3A_12 : vector<16xf32> to vector<1x16xf32>
      tpu.vector_store %arg7[%swap3A_164, %swap3A_165], %swap3A_168 {strides = array<i32>} : memref<80x128xf32, #tpu.memory_space<vmem>>, vector<1x16xf32>,
      %swap3A_169 = arith.index_cast %scan3A_153 : i32 to index
      %swap3A_170 = arith.constant 48 : index
      %swap3A_171 = tpu.vector_load %arg7[%swap3A_169, %swap3A_170] {strides = array<i32>} : memref<80x128xf32, #tpu.memory_space<vmem>>, vector<1x16xf32>,
      %swap3A_172 = vector.shape_cast %swap3A_171 : vector<1x16xf32> to vector<16xf32>
      %swap3A_173 = vector.shape_cast %broadcast_in_dim3A_12 : vector<16xf32> to vector<1x16xf32>
      tpu.vector_store %arg7[%swap3A_169, %swap3A_170], %swap3A_173 {strides = array<i32>} : memref<80x128xf32, #tpu.memory_space<vmem>>, vector<1x16xf32>,
      %swap3A_174 = arith.index_cast %scan3A_153 : i32 to index
      %swap3A_175 = arith.constant 64 : index
      %swap3A_176 = tpu.vector_load %arg7[%swap3A_174, %swap3A_175] {strides = array<i32>} : memref<80x128xf32, #tpu.memory_space<vmem>>, vector<1x16xf32>,
      %swap3A_177 = vector.shape_cast %swap3A_176 : vector<1x16xf32> to vector<16xf32>
      %swap3A_178 = vector.shape_cast %broadcast_in_dim3A_12 : vector<16xf32> to vector<1x16xf32>
      tpu.vector_store %arg7[%swap3A_174, %swap3A_175], %swap3A_178 {strides = array<i32>} : memref<80x128xf32, #tpu.memory_space<vmem>>, vector<1x16xf32>,
      %swap3A_179 = arith.index_cast %scan3A_153 : i32 to index
      %swap3A_180 = arith.constant 80 : index
      %swap3A_181 = tpu.vector_load %arg7[%swap3A_179, %swap3A_180] {strides = array<i32>} : memref<80x128xf32, #tpu.memory_space<vmem>>, vector<1x16xf32>,
      %swap3A_182 = vector.shape_cast %swap3A_181 : vector<1x16xf32> to vector<16xf32>
      %swap3A_183 = vector.shape_cast %broadcast_in_dim3A_12 : vector<16xf32> to vector<1x16xf32>
      tpu.vector_store %arg7[%swap3A_179, %swap3A_180], %swap3A_183 {strides = array<i32>} : memref<80x128xf32, #tpu.memory_space<vmem>>, vector<1x16xf32>,
      %swap3A_184 = arith.index_cast %scan3A_153 : i32 to index
      %swap3A_185 = arith.constant 96 : index
      %swap3A_186 = tpu.vector_load %arg7[%swap3A_184, %swap3A_185] {strides = array<i32>} : memref<80x128xf32, #tpu.memory_space<vmem>>, vector<1x16xf32>,
      %swap3A_187 = vector.shape_cast %swap3A_186 : vector<1x16xf32> to vector<16xf32>
      %swap3A_188 = vector.shape_cast %broadcast_in_dim3A_12 : vector<16xf32> to vector<1x16xf32>
      tpu.vector_store %arg7[%swap3A_184, %swap3A_185], %swap3A_188 {strides = array<i32>} : memref<80x128xf32, #tpu.memory_space<vmem>>, vector<1x16xf32>,
      %swap3A_189 = arith.index_cast %scan3A_153 : i32 to index
      %swap3A_190 = arith.constant 112 : index
      %swap3A_191 = tpu.vector_load %arg7[%swap3A_189, %swap3A_190] {strides = array<i32>} : memref<80x128xf32, #tpu.memory_space<vmem>>, vector<1x16xf32>,
      %swap3A_192 = vector.shape_cast %swap3A_191 : vector<1x16xf32> to vector<16xf32>
      %swap3A_193 = vector.shape_cast %broadcast_in_dim3A_12 : vector<16xf32> to vector<1x16xf32>
      tpu.vector_store %arg7[%swap3A_189, %swap3A_190], %swap3A_193 {strides = array<i32>} : memref<80x128xf32, #tpu.memory_space<vmem>>, vector<1x16xf32>,
      %scan3A_194 = arith.constant 0 : i32
      scf.yield %scan3A_194 : i32
    }
    %scan3A_18 = arith.constant 80 : i32
    %dma_wait3A = tpu.memref_slice %arg3[%mul3A_4] : memref<640000xi32, #tpu.memory_space<hbm>> -> memref<10000xi32, #tpu.memory_space<hbm>>
    %dma_wait3A_19 = tpu.memref_slice %arg3[%mul3A_4] : memref<640000xi32, #tpu.memory_space<hbm>> -> memref<10000xi32, #tpu.memory_space<hbm>>
    tpu.wait_dma2 semaphore(%arg11 : memref<!tpu.dma_semaphore, #tpu.memory_space<semaphore_mem>>) src(%dma_wait3A_19 : memref<10000xi32, #tpu.memory_space<hbm>>) dst(%arg5 : memref<10000xi32, #tpu.memory_space<vmem>>)
    %dma_wait3A_20 = tpu.memref_slice %arg3[%add3A_9] : memref<640000xi32, #tpu.memory_space<hbm>> -> memref<10000xi32, #tpu.memory_space<hbm>>
    %dma_wait3A_21 = tpu.memref_slice %arg3[%add3A_9] : memref<640000xi32, #tpu.memory_space<hbm>> -> memref<10000xi32, #tpu.memory_space<hbm>>
    tpu.wait_dma2 semaphore(%arg12 : memref<!tpu.dma_semaphore, #tpu.memory_space<semaphore_mem>>) src(%dma_wait3A_21 : memref<10000xi32, #tpu.memory_space<hbm>>) dst(%arg6 : memref<10000xi32, #tpu.memory_space<vmem>>)
    %add3A_22 = arith.constant 0 : i32
    %add3A_23 = arith.addi %mul3A_2, %add3A_22 : i32
    "tpu.region"() ({
      %run_scoped3A = tpu.sem_alloc : memref<!tpu.dma_semaphore, #tpu.memory_space<semaphore_mem>>
      %dma_start3A_153 = arith.constant 0 : i32
      %dma_start3A_154 = tpu.memref_slice %arg10[%add3A_23, %dma_start3A_153] : memref<10000x128xf32, #tpu.memory_space<vmem_shared>> -> memref<80x128xf32, #tpu.memory_space<vmem_shared>>
      %dma_start3A_155 = arith.constant 0 : i32
      %dma_start3A_156 = tpu.memref_slice %arg10[%add3A_23, %dma_start3A_155] : memref<10000x128xf32, #tpu.memory_space<vmem_shared>> -> memref<80x128xf32, #tpu.memory_space<vmem_shared>>
      tpu.enqueue_dma source(%arg7 : memref<80x128xf32, #tpu.memory_space<vmem>>) target(%dma_start3A_156 : memref<80x128xf32, #tpu.memory_space<vmem_shared>>) target_semaphore(%run_scoped3A : memref<!tpu.dma_semaphore, #tpu.memory_space<semaphore_mem>>)
      %dma_wait3A_157 = arith.constant 0 : i32
      %dma_wait3A_158 = tpu.memref_slice %arg10[%add3A_23, %dma_wait3A_157] : memref<10000x128xf32, #tpu.memory_space<vmem_shared>> -> memref<80x128xf32, #tpu.memory_space<vmem_shared>>
      %dma_wait3A_159 = arith.constant 0 : i32
      %dma_wait3A_160 = tpu.memref_slice %arg10[%add3A_23, %dma_wait3A_159] : memref<10000x128xf32, #tpu.memory_space<vmem_shared>> -> memref<80x128xf32, #tpu.memory_space<vmem_shared>>
      tpu.wait_dma2 semaphore(%run_scoped3A : memref<!tpu.dma_semaphore, #tpu.memory_space<semaphore_mem>>) src(%arg7 : memref<80x128xf32, #tpu.memory_space<vmem>>) dst(%dma_wait3A_160 : memref<80x128xf32, #tpu.memory_space<vmem_shared>>)
      tpu.yield
    }) : () -> ()
    %add3A_24 = arith.constant 80 : i32
    %add3A_25 = arith.addi %mul3A_2, %add3A_24 : i32
    "tpu.region"() ({
      %run_scoped3A = tpu.sem_alloc : memref<!tpu.dma_semaphore, #tpu.memory_space<semaphore_mem>>
      %dma_start3A_153 = arith.constant 0 : i32
      %dma_start3A_154 = tpu.memref_slice %arg10[%add3A_25, %dma_start3A_153] : memref<10000x128xf32, #tpu.memory_space<vmem_shared>> -> memref<80x128xf32, #tpu.memory_space<vmem_shared>>
      %dma_start3A_155 = arith.constant 0 : i32
      %dma_start3A_156 = tpu.memref_slice %arg10[%add3A_25, %dma_start3A_155] : memref<10000x128xf32, #tpu.memory_space<vmem_shared>> -> memref<80x128xf32, #tpu.memory_space<vmem_shared>>
      tpu.enqueue_dma source(%arg7 : memref<80x128xf32, #tpu.memory_space<vmem>>) target(%dma_start3A_156 : memref<80x128xf32, #tpu.memory_space<vmem_shared>>) target_semaphore(%run_scoped3A : memref<!tpu.dma_semaphore, #tpu.memory_space<semaphore_mem>>)
      %dma_wait3A_157 = arith.constant 0 : i32
      %dma_wait3A_158 = tpu.memref_slice %arg10[%add3A_25, %dma_wait3A_157] : memref<10000x128xf32, #tpu.memory_space<vmem_shared>> -> memref<80x128xf32, #tpu.memory_space<vmem_shared>>
      %dma_wait3A_159 = arith.constant 0 : i32
      %dma_wait3A_160 = tpu.memref_slice %arg10[%add3A_25, %dma_wait3A_159] : memref<10000x128xf32, #tpu.memory_space<vmem_shared>> -> memref<80x128xf32, #tpu.memory_space<vmem_shared>>
      tpu.wait_dma2 semaphore(%run_scoped3A : memref<!tpu.dma_semaphore, #tpu.memory_space<semaphore_mem>>) src(%arg7 : memref<80x128xf32, #tpu.memory_space<vmem>>) dst(%dma_wait3A_160 : memref<80x128xf32, #tpu.memory_space<vmem_shared>>)
      tpu.yield
    }) : () -> ()
    %add3A_26 = arith.constant 160 : i32
    %add3A_27 = arith.addi %mul3A_2, %add3A_26 : i32
    "tpu.region"() ({
      %run_scoped3A = tpu.sem_alloc : memref<!tpu.dma_semaphore, #tpu.memory_space<semaphore_mem>>
      %dma_start3A_153 = arith.constant 0 : i32
      %dma_start3A_154 = tpu.memref_slice %arg10[%add3A_27, %dma_start3A_153] : memref<10000x128xf32, #tpu.memory_space<vmem_shared>> -> memref<80x128xf32, #tpu.memory_space<vmem_shared>>
      %dma_start3A_155 = arith.constant 0 : i32
      %dma_start3A_156 = tpu.memref_slice %arg10[%add3A_27, %dma_start3A_155] : memref<10000x128xf32, #tpu.memory_space<vmem_shared>> -> memref<80x128xf32, #tpu.memory_space<vmem_shared>>
      tpu.enqueue_dma source(%arg7 : memref<80x128xf32, #tpu.memory_space<vmem>>) target(%dma_start3A_156 : memref<80x128xf32, #tpu.memory_space<vmem_shared>>) target_semaphore(%run_scoped3A : memref<!tpu.dma_semaphore, #tpu.memory_space<semaphore_mem>>)
      %dma_wait3A_157 = arith.constant 0 : i32
      %dma_wait3A_158 = tpu.memref_slice %arg10[%add3A_27, %dma_wait3A_157] : memref<10000x128xf32, #tpu.memory_space<vmem_shared>> -> memref<80x128xf32, #tpu.memory_space<vmem_shared>>
      %dma_wait3A_159 = arith.constant 0 : i32
      %dma_wait3A_160 = tpu.memref_slice %arg10[%add3A_27, %dma_wait3A_159] : memref<10000x128xf32, #tpu.memory_space<vmem_shared>> -> memref<80x128xf32, #tpu.memory_space<vmem_shared>>
      tpu.wait_dma2 semaphore(%run_scoped3A : memref<!tpu.dma_semaphore, #tpu.memory_space<semaphore_mem>>) src(%arg7 : memref<80x128xf32, #tpu.memory_space<vmem>>) dst(%dma_wait3A_160 : memref<80x128xf32, #tpu.memory_space<vmem_shared>>)
      tpu.yield
    }) : () -> ()
    %add3A_28 = arith.constant 240 : i32
    %add3A_29 = arith.addi %mul3A_2, %add3A_28 : i32
    "tpu.region"() ({
      %run_scoped3A = tpu.sem_alloc : memref<!tpu.dma_semaphore, #tpu.memory_space<semaphore_mem>>
      %dma_start3A_153 = arith.constant 0 : i32
      %dma_start3A_154 = tpu.memref_slice %arg10[%add3A_29, %dma_start3A_153] : memref<10000x128xf32, #tpu.memory_space<vmem_shared>> -> memref<80x128xf32, #tpu.memory_space<vmem_shared>>
      %dma_start3A_155 = arith.constant 0 : i32
      %dma_start3A_156 = tpu.memref_slice %arg10[%add3A_29, %dma_start3A_155] : memref<10000x128xf32, #tpu.memory_space<vmem_shared>> -> memref<80x128xf32, #tpu.memory_space<vmem_shared>>
      tpu.enqueue_dma source(%arg7 : memref<80x128xf32, #tpu.memory_space<vmem>>) target(%dma_start3A_156 : memref<80x128xf32, #tpu.memory_space<vmem_shared>>) target_semaphore(%run_scoped3A : memref<!tpu.dma_semaphore, #tpu.memory_space<semaphore_mem>>)
      %dma_wait3A_157 = arith.constant 0 : i32
      %dma_wait3A_158 = tpu.memref_slice %arg10[%add3A_29, %dma_wait3A_157] : memref<10000x128xf32, #tpu.memory_space<vmem_shared>> -> memref<80x128xf32, #tpu.memory_space<vmem_shared>>
      %dma_wait3A_159 = arith.constant 0 : i32
      %dma_wait3A_160 = tpu.memref_slice %arg10[%add3A_29, %dma_wait3A_159] : memref<10000x128xf32, #tpu.memory_space<vmem_shared>> -> memref<80x128xf32, #tpu.memory_space<vmem_shared>>
      tpu.wait_dma2 semaphore(%run_scoped3A : memref<!tpu.dma_semaphore, #tpu.memory_space<semaphore_mem>>) src(%arg7 : memref<80x128xf32, #tpu.memory_space<vmem>>) dst(%dma_wait3A_160 : memref<80x128xf32, #tpu.memory_space<vmem_shared>>)
      tpu.yield
    }) : () -> ()
    %add3A_30 = arith.constant 320 : i32
    %add3A_31 = arith.addi %mul3A_2, %add3A_30 : i32
    "tpu.region"() ({
      %run_scoped3A = tpu.sem_alloc : memref<!tpu.dma_semaphore, #tpu.memory_space<semaphore_mem>>
      %dma_start3A_153 = arith.constant 0 : i32
      %dma_start3A_154 = tpu.memref_slice %arg10[%add3A_31, %dma_start3A_153] : memref<10000x128xf32, #tpu.memory_space<vmem_shared>> -> memref<80x128xf32, #tpu.memory_space<vmem_shared>>
      %dma_start3A_155 = arith.constant 0 : i32
      %dma_start3A_156 = tpu.memref_slice %arg10[%add3A_31, %dma_start3A_155] : memref<10000x128xf32, #tpu.memory_space<vmem_shared>> -> memref<80x128xf32, #tpu.memory_space<vmem_shared>>
      tpu.enqueue_dma source(%arg7 : memref<80x128xf32, #tpu.memory_space<vmem>>) target(%dma_start3A_156 : memref<80x128xf32, #tpu.memory_space<vmem_shared>>) target_semaphore(%run_scoped3A : memref<!tpu.dma_semaphore, #tpu.memory_space<semaphore_mem>>)
      %dma_wait3A_157 = arith.constant 0 : i32
      %dma_wait3A_158 = tpu.memref_slice %arg10[%add3A_31, %dma_wait3A_157] : memref<10000x128xf32, #tpu.memory_space<vmem_shared>> -> memref<80x128xf32, #tpu.memory_space<vmem_shared>>
      %dma_wait3A_159 = arith.constant 0 : i32
      %dma_wait3A_160 = tpu.memref_slice %arg10[%add3A_31, %dma_wait3A_159] : memref<10000x128xf32, #tpu.memory_space<vmem_shared>> -> memref<80x128xf32, #tpu.memory_space<vmem_shared>>
      tpu.wait_dma2 semaphore(%run_scoped3A : memref<!tpu.dma_semaphore, #tpu.memory_space<semaphore_mem>>) src(%arg7 : memref<80x128xf32, #tpu.memory_space<vmem>>) dst(%dma_wait3A_160 : memref<80x128xf32, #tpu.memory_space<vmem_shared>>)
      tpu.yield
    }) : () -> ()
    %add3A_32 = arith.constant 400 : i32
    %add3A_33 = arith.addi %mul3A_2, %add3A_32 : i32
    "tpu.region"() ({
      %run_scoped3A = tpu.sem_alloc : memref<!tpu.dma_semaphore, #tpu.memory_space<semaphore_mem>>
      %dma_start3A_153 = arith.constant 0 : i32
      %dma_start3A_154 = tpu.memref_slice %arg10[%add3A_33, %dma_start3A_153] : memref<10000x128xf32, #tpu.memory_space<vmem_shared>> -> memref<80x128xf32, #tpu.memory_space<vmem_shared>>
      %dma_start3A_155 = arith.constant 0 : i32
      %dma_start3A_156 = tpu.memref_slice %arg10[%add3A_33, %dma_start3A_155] : memref<10000x128xf32, #tpu.memory_space<vmem_shared>> -> memref<80x128xf32, #tpu.memory_space<vmem_shared>>
      tpu.enqueue_dma source(%arg7 : memref<80x128xf32, #tpu.memory_space<vmem>>) target(%dma_start3A_156 : memref<80x128xf32, #tpu.memory_space<vmem_shared>>) target_semaphore(%run_scoped3A : memref<!tpu.dma_semaphore, #tpu.memory_space<semaphore_mem>>)
      %dma_wait3A_157 = arith.constant 0 : i32
      %dma_wait3A_158 = tpu.memref_slice %arg10[%add3A_33, %dma_wait3A_157] : memref<10000x128xf32, #tpu.memory_space<vmem_shared>> -> memref<80x128xf32, #tpu.memory_space<vmem_shared>>
      %dma_wait3A_159 = arith.constant 0 : i32
      %dma_wait3A_160 = tpu.memref_slice %arg10[%add3A_33, %dma_wait3A_159] : memref<10000x128xf32, #tpu.memory_space<vmem_shared>> -> memref<80x128xf32, #tpu.memory_space<vmem_shared>>
      tpu.wait_dma2 semaphore(%run_scoped3A : memref<!tpu.dma_semaphore, #tpu.memory_space<semaphore_mem>>) src(%arg7 : memref<80x128xf32, #tpu.memory_space<vmem>>) dst(%dma_wait3A_160 : memref<80x128xf32, #tpu.memory_space<vmem_shared>>)
      tpu.yield
    }) : () -> ()
    %add3A_34 = arith.constant 480 : i32
    %add3A_35 = arith.addi %mul3A_2, %add3A_34 : i32
    "tpu.region"() ({
      %run_scoped3A = tpu.sem_alloc : memref<!tpu.dma_semaphore, #tpu.memory_space<semaphore_mem>>
      %dma_start3A_153 = arith.constant 0 : i32
      %dma_start3A_154 = tpu.memref_slice %arg10[%add3A_35, %dma_start3A_153] : memref<10000x128xf32, #tpu.memory_space<vmem_shared>> -> memref<80x128xf32, #tpu.memory_space<vmem_shared>>
      %dma_start3A_155 = arith.constant 0 : i32
      %dma_start3A_156 = tpu.memref_slice %arg10[%add3A_35, %dma_start3A_155] : memref<10000x128xf32, #tpu.memory_space<vmem_shared>> -> memref<80x128xf32, #tpu.memory_space<vmem_shared>>
      tpu.enqueue_dma source(%arg7 : memref<80x128xf32, #tpu.memory_space<vmem>>) target(%dma_start3A_156 : memref<80x128xf32, #tpu.memory_space<vmem_shared>>) target_semaphore(%run_scoped3A : memref<!tpu.dma_semaphore, #tpu.memory_space<semaphore_mem>>)
      %dma_wait3A_157 = arith.constant 0 : i32
      %dma_wait3A_158 = tpu.memref_slice %arg10[%add3A_35, %dma_wait3A_157] : memref<10000x128xf32, #tpu.memory_space<vmem_shared>> -> memref<80x128xf32, #tpu.memory_space<vmem_shared>>
      %dma_wait3A_159 = arith.constant 0 : i32
      %dma_wait3A_160 = tpu.memref_slice %arg10[%add3A_35, %dma_wait3A_159] : memref<10000x128xf32, #tpu.memory_space<vmem_shared>> -> memref<80x128xf32, #tpu.memory_space<vmem_shared>>
      tpu.wait_dma2 semaphore(%run_scoped3A : memref<!tpu.dma_semaphore, #tpu.memory_space<semaphore_mem>>) src(%arg7 : memref<80x128xf32, #tpu.memory_space<vmem>>) dst(%dma_wait3A_160 : memref<80x128xf32, #tpu.memory_space<vmem_shared>>)
      tpu.yield
    }) : () -> ()
    %add3A_36 = arith.constant 560 : i32
    %add3A_37 = arith.addi %mul3A_2, %add3A_36 : i32
    "tpu.region"() ({
      %run_scoped3A = tpu.sem_alloc : memref<!tpu.dma_semaphore, #tpu.memory_space<semaphore_mem>>
      %dma_start3A_153 = arith.constant 0 : i32
      %dma_start3A_154 = arith.constant 0 : i32
      %dma_start3A_155 = tpu.memref_slice %arg7[%dma_start3A_153, %dma_start3A_154] : memref<80x128xf32, #tpu.memory_space<vmem>> -> memref<64x128xf32, #tpu.memory_space<vmem>>
      %dma_start3A_156 = arith.constant 0 : i32
      %dma_start3A_157 = tpu.memref_slice %arg10[%add3A_37, %dma_start3A_156] : memref<10000x128xf32, #tpu.memory_space<vmem_shared>> -> memref<64x128xf32, #tpu.memory_space<vmem_shared>>
      %dma_start3A_158 = arith.constant 0 : i32
      %dma_start3A_159 = tpu.memref_slice %arg10[%add3A_37, %dma_start3A_158] : memref<10000x128xf32, #tpu.memory_space<vmem_shared>> -> memref<64x128xf32, #tpu.memory_space<vmem_shared>>
      %dma_start3A_160 = arith.constant 0 : i32
      %dma_start3A_161 = arith.constant 0 : i32
      %dma_start3A_162 = tpu.memref_slice %arg7[%dma_start3A_160, %dma_start3A_161] : memref<80x128xf32, #tpu.memory_space<vmem>> -> memref<64x128xf32, #tpu.memory_space<vmem>>
      tpu.enqueue_dma source(%dma_start3A_162 : memref<64x128xf32, #tpu.memory_space<vmem>>) target(%dma_start3A_159 : memref<64x128xf32, #tpu.memory_space<vmem_shared>>) target_semaphore(%run_scoped3A : memref<!tpu.dma_semaphore, #tpu.memory_space<semaphore_mem>>)
      %dma_wait3A_163 = arith.constant 0 : i32
      %dma_wait3A_164 = arith.constant 0 : i32
      %dma_wait3A_165 = tpu.memref_slice %arg7[%dma_wait3A_163, %dma_wait3A_164] : memref<80x128xf32, #tpu.memory_space<vmem>> -> memref<64x128xf32, #tpu.memory_space<vmem>>
      %dma_wait3A_166 = arith.constant 0 : i32
      %dma_wait3A_167 = tpu.memref_slice %arg10[%add3A_37, %dma_wait3A_166] : memref<10000x128xf32, #tpu.memory_space<vmem_shared>> -> memref<64x128xf32, #tpu.memory_space<vmem_shared>>
      %dma_wait3A_168 = arith.constant 0 : i32
      %dma_wait3A_169 = tpu.memref_slice %arg10[%add3A_37, %dma_wait3A_168] : memref<10000x128xf32, #tpu.memory_space<vmem_shared>> -> memref<64x128xf32, #tpu.memory_space<vmem_shared>>
      %dma_wait3A_170 = arith.constant 0 : i32
      %dma_wait3A_171 = arith.constant 0 : i32
      %dma_wait3A_172 = tpu.memref_slice %arg7[%dma_wait3A_170, %dma_wait3A_171] : memref<80x128xf32, #tpu.memory_space<vmem>> -> memref<64x128xf32, #tpu.memory_space<vmem>>
      tpu.wait_dma2 semaphore(%run_scoped3A : memref<!tpu.dma_semaphore, #tpu.memory_space<semaphore_mem>>) src(%dma_wait3A_172 : memref<64x128xf32, #tpu.memory_space<vmem>>) dst(%dma_wait3A_169 : memref<64x128xf32, #tpu.memory_space<vmem_shared>>)
      tpu.yield
    }) : () -> ()
    %eq3A = arith.constant 0 : i32
    %eq3A_38 = arith.cmpi eq, %arg1, %eq3A : i32
    %convert_element_type3A = arith.extui %eq3A_38 : i1 to i32
    %cond3A = arith.constant 0 : i32
    %cond3A_39 = arith.cmpi ne, %convert_element_type3A, %cond3A : i32
    scf.if %cond3A_39 {
      "tpu.region"() ({
        %run_scoped3A = tpu.sem_alloc : memref<!tpu.dma_semaphore, #tpu.memory_space<semaphore_mem>>
        %dma_start3A_153 = arith.constant 0 : i32
        %dma_start3A_154 = arith.constant 0 : i32
        %dma_start3A_155 = tpu.memref_slice %arg7[%dma_start3A_153, %dma_start3A_154] : memref<80x128xf32, #tpu.memory_space<vmem>> -> memref<16x128xf32, #tpu.memory_space<vmem>>
        %dma_start3A_156 = arith.constant 9984 : i32
        %dma_start3A_157 = arith.constant 0 : i32
        %dma_start3A_158 = tpu.memref_slice %arg10[%dma_start3A_156, %dma_start3A_157] : memref<10000x128xf32, #tpu.memory_space<vmem_shared>> -> memref<16x128xf32, #tpu.memory_space<vmem_shared>>
        %dma_start3A_159 = arith.constant 9984 : i32
        %dma_start3A_160 = arith.constant 0 : i32
        %dma_start3A_161 = tpu.memref_slice %arg10[%dma_start3A_159, %dma_start3A_160] : memref<10000x128xf32, #tpu.memory_space<vmem_shared>> -> memref<16x128xf32, #tpu.memory_space<vmem_shared>>
        %dma_start3A_162 = arith.constant 0 : i32
        %dma_start3A_163 = arith.constant 0 : i32
        %dma_start3A_164 = tpu.memref_slice %arg7[%dma_start3A_162, %dma_start3A_163] : memref<80x128xf32, #tpu.memory_space<vmem>> -> memref<16x128xf32, #tpu.memory_space<vmem>>
        tpu.enqueue_dma source(%dma_start3A_164 : memref<16x128xf32, #tpu.memory_space<vmem>>) target(%dma_start3A_161 : memref<16x128xf32, #tpu.memory_space<vmem_shared>>) target_semaphore(%run_scoped3A : memref<!tpu.dma_semaphore, #tpu.memory_space<semaphore_mem>>)
        %dma_wait3A_165 = arith.constant 0 : i32
        %dma_wait3A_166 = arith.constant 0 : i32
        %dma_wait3A_167 = tpu.memref_slice %arg7[%dma_wait3A_165, %dma_wait3A_166] : memref<80x128xf32, #tpu.memory_space<vmem>> -> memref<16x128xf32, #tpu.memory_space<vmem>>
        %dma_wait3A_168 = arith.constant 9984 : i32
        %dma_wait3A_169 = arith.constant 0 : i32
        %dma_wait3A_170 = tpu.memref_slice %arg10[%dma_wait3A_168, %dma_wait3A_169] : memref<10000x128xf32, #tpu.memory_space<vmem_shared>> -> memref<16x128xf32, #tpu.memory_space<vmem_shared>>
        %dma_wait3A_171 = arith.constant 9984 : i32
        %dma_wait3A_172 = arith.constant 0 : i32
        %dma_wait3A_173 = tpu.memref_slice %arg10[%dma_wait3A_171, %dma_wait3A_172] : memref<10000x128xf32, #tpu.memory_space<vmem_shared>> -> memref<16x128xf32, #tpu.memory_space<vmem_shared>>
        %dma_wait3A_174 = arith.constant 0 : i32
        %dma_wait3A_175 = arith.constant 0 : i32
        %dma_wait3A_176 = tpu.memref_slice %arg7[%dma_wait3A_174, %dma_wait3A_175] : memref<80x128xf32, #tpu.memory_space<vmem>> -> memref<16x128xf32, #tpu.memory_space<vmem>>
        tpu.wait_dma2 semaphore(%run_scoped3A : memref<!tpu.dma_semaphore, #tpu.memory_space<semaphore_mem>>) src(%dma_wait3A_176 : memref<16x128xf32, #tpu.memory_space<vmem>>) dst(%dma_wait3A_173 : memref<16x128xf32, #tpu.memory_space<vmem_shared>>)
        tpu.yield
      }) : () -> ()
    } else {
    }
    %barrier3A = arith.constant 0 : index
    tpu.barrier barrier_id(%barrier3A)
    %dma_start3A_40 = arith.constant 0 : i32
    %dma_start3A_41 = tpu.memref_slice %arg5[%dma_start3A_40] : memref<10000xi32, #tpu.memory_space<vmem>> -> memref<80xi32, #tpu.memory_space<vmem>>
    %dma_start3A_42 = arith.constant 0 : i32
    %dma_start3A_43 = arith.constant 0 : i32
    %dma_start3A_44 = tpu.memref_slice %arg2[%dma_start3A_42, %dma_start3A_43] : memref<10000x128xf32, #tpu.memory_space<hbm>> -> memref<10000x128xf32, #tpu.memory_space<hbm>>
    tpu.enqueue_indirect_dma source(%dma_start3A_44 : memref<10000x128xf32, #tpu.memory_space<hbm>>) target(%arg7 : memref<80x128xf32, #tpu.memory_space<vmem>>) offsets(%dma_start3A_41 : memref<80xi32, #tpu.memory_space<vmem>>) semaphore(%arg11 : memref<!tpu.dma_semaphore, #tpu.memory_space<semaphore_mem>>)
    %dma_start3A_45 = arith.constant 80 : i32
    %dma_start3A_46 = tpu.memref_slice %arg5[%dma_start3A_45] : memref<10000xi32, #tpu.memory_space<vmem>> -> memref<80xi32, #tpu.memory_space<vmem>>
    %dma_start3A_47 = arith.constant 0 : i32
    %dma_start3A_48 = arith.constant 0 : i32
    %dma_start3A_49 = tpu.memref_slice %arg2[%dma_start3A_47, %dma_start3A_48] : memref<10000x128xf32, #tpu.memory_space<hbm>> -> memref<10000x128xf32, #tpu.memory_space<hbm>>
    tpu.enqueue_indirect_dma source(%dma_start3A_49 : memref<10000x128xf32, #tpu.memory_space<hbm>>) target(%arg8 : memref<80x128xf32, #tpu.memory_space<vmem>>) offsets(%dma_start3A_46 : memref<80xi32, #tpu.memory_space<vmem>>) semaphore(%arg12 : memref<!tpu.dma_semaphore, #tpu.memory_space<semaphore_mem>>)
    %dma_wait3A_50 = arith.constant 0 : i32
    %dma_wait3A_51 = tpu.memref_slice %arg5[%dma_wait3A_50] : memref<10000xi32, #tpu.memory_space<vmem>> -> memref<80xi32, #tpu.memory_space<vmem>>
    %dma_wait3A_52 = arith.constant 0 : i32
    %dma_wait3A_53 = arith.constant 0 : i32
    %dma_wait3A_54 = tpu.memref_slice %arg2[%dma_wait3A_52, %dma_wait3A_53] : memref<10000x128xf32, #tpu.memory_space<hbm>> -> memref<10000x128xf32, #tpu.memory_space<hbm>>
    tpu.wait_indirect_dma semaphore(%arg11 : memref<!tpu.dma_semaphore, #tpu.memory_space<semaphore_mem>>) src(%dma_wait3A_54 : memref<10000x128xf32, #tpu.memory_space<hbm>>) dst(%arg7 : memref<80x128xf32, #tpu.memory_space<vmem>>)
    %dma_start3A_55 = arith.constant 0 : i32
    %dma_start3A_56 = tpu.memref_slice %arg6[%dma_start3A_55] : memref<10000xi32, #tpu.memory_space<vmem>> -> memref<80xi32, #tpu.memory_space<vmem>>
    %dma_start3A_57 = arith.constant 0 : i32
    %dma_start3A_58 = arith.constant 0 : i32
    %dma_start3A_59 = tpu.memref_slice %arg10[%dma_start3A_57, %dma_start3A_58] : memref<10000x128xf32, #tpu.memory_space<vmem_shared>> -> memref<10000x128xf32, #tpu.memory_space<vmem_shared>>
    tpu.enqueue_indirect_dma source(%arg7 : memref<80x128xf32, #tpu.memory_space<vmem>>) target(%dma_start3A_59 : memref<10000x128xf32, #tpu.memory_space<vmem_shared>>) offsets(%dma_start3A_56 : memref<80xi32, #tpu.memory_space<vmem>>) semaphore(%arg14 : memref<!tpu.dma_semaphore, #tpu.memory_space<semaphore_mem>>) {add = true}
    %dma_start3A_60 = arith.constant 160 : i32
    %dma_start3A_61 = tpu.memref_slice %arg5[%dma_start3A_60] : memref<10000xi32, #tpu.memory_space<vmem>> -> memref<80xi32, #tpu.memory_space<vmem>>
    %dma_start3A_62 = arith.constant 0 : i32
    %dma_start3A_63 = arith.constant 0 : i32
    %dma_start3A_64 = tpu.memref_slice %arg2[%dma_start3A_62, %dma_start3A_63] : memref<10000x128xf32, #tpu.memory_space<hbm>> -> memref<10000x128xf32, #tpu.memory_space<hbm>>
    tpu.enqueue_indirect_dma source(%dma_start3A_64 : memref<10000x128xf32, #tpu.memory_space<hbm>>) target(%arg9 : memref<80x128xf32, #tpu.memory_space<vmem>>) offsets(%dma_start3A_61 : memref<80xi32, #tpu.memory_space<vmem>>) semaphore(%arg13 : memref<!tpu.dma_semaphore, #tpu.memory_space<semaphore_mem>>)
    %dma_wait3A_65 = arith.constant 80 : i32
    %dma_wait3A_66 = tpu.memref_slice %arg5[%dma_wait3A_65] : memref<10000xi32, #tpu.memory_space<vmem>> -> memref<80xi32, #tpu.memory_space<vmem>>
    %dma_wait3A_67 = arith.constant 0 : i32
    %dma_wait3A_68 = arith.constant 0 : i32
    %dma_wait3A_69 = tpu.memref_slice %arg2[%dma_wait3A_67, %dma_wait3A_68] : memref<10000x128xf32, #tpu.memory_space<hbm>> -> memref<10000x128xf32, #tpu.memory_space<hbm>>
    tpu.wait_indirect_dma semaphore(%arg12 : memref<!tpu.dma_semaphore, #tpu.memory_space<semaphore_mem>>) src(%dma_wait3A_69 : memref<10000x128xf32, #tpu.memory_space<hbm>>) dst(%arg8 : memref<80x128xf32, #tpu.memory_space<vmem>>)
    %dma_start3A_70 = arith.constant 80 : i32
    %dma_start3A_71 = tpu.memref_slice %arg6[%dma_start3A_70] : memref<10000xi32, #tpu.memory_space<vmem>> -> memref<80xi32, #tpu.memory_space<vmem>>
    %dma_start3A_72 = arith.constant 0 : i32
    %dma_start3A_73 = arith.constant 0 : i32
    %dma_start3A_74 = tpu.memref_slice %arg10[%dma_start3A_72, %dma_start3A_73] : memref<10000x128xf32, #tpu.memory_space<vmem_shared>> -> memref<10000x128xf32, #tpu.memory_space<vmem_shared>>
    tpu.enqueue_indirect_dma source(%arg8 : memref<80x128xf32, #tpu.memory_space<vmem>>) target(%dma_start3A_74 : memref<10000x128xf32, #tpu.memory_space<vmem_shared>>) offsets(%dma_start3A_71 : memref<80xi32, #tpu.memory_space<vmem>>) semaphore(%arg15 : memref<!tpu.dma_semaphore, #tpu.memory_space<semaphore_mem>>) {add = true}
    %dma_wait3A_75 = arith.constant 0 : i32
    %dma_wait3A_76 = tpu.memref_slice %arg6[%dma_wait3A_75] : memref<10000xi32, #tpu.memory_space<vmem>> -> memref<80xi32, #tpu.memory_space<vmem>>
    %dma_wait3A_77 = arith.constant 0 : i32
    %dma_wait3A_78 = arith.constant 0 : i32
    %dma_wait3A_79 = tpu.memref_slice %arg10[%dma_wait3A_77, %dma_wait3A_78] : memref<10000x128xf32, #tpu.memory_space<vmem_shared>> -> memref<10000x128xf32, #tpu.memory_space<vmem_shared>>
    tpu.wait_indirect_dma semaphore(%arg14 : memref<!tpu.dma_semaphore, #tpu.memory_space<semaphore_mem>>) src(%arg7 : memref<80x128xf32, #tpu.memory_space<vmem>>) dst(%dma_wait3A_79 : memref<10000x128xf32, #tpu.memory_space<vmem_shared>>)
    %dma_start3A_80 = arith.constant 240 : i32
    %dma_start3A_81 = tpu.memref_slice %arg5[%dma_start3A_80] : memref<10000xi32, #tpu.memory_space<vmem>> -> memref<80xi32, #tpu.memory_space<vmem>>
    %dma_start3A_82 = arith.constant 0 : i32
    %dma_start3A_83 = arith.constant 0 : i32
    %dma_start3A_84 = tpu.memref_slice %arg2[%dma_start3A_82, %dma_start3A_83] : memref<10000x128xf32, #tpu.memory_space<hbm>> -> memref<10000x128xf32, #tpu.memory_space<hbm>>
    tpu.enqueue_indirect_dma source(%dma_start3A_84 : memref<10000x128xf32, #tpu.memory_space<hbm>>) target(%arg7 : memref<80x128xf32, #tpu.memory_space<vmem>>) offsets(%dma_start3A_81 : memref<80xi32, #tpu.memory_space<vmem>>) semaphore(%arg11 : memref<!tpu.dma_semaphore, #tpu.memory_space<semaphore_mem>>)
    %scan3A_85 = arith.constant 0 : i32
    %scan3A_86 = arith.constant 0 : i32
    %scan3A_87 = arith.constant 40 : i32
    %scan3A_88 = arith.addi %scan3A_86, %scan3A_87 : i32
    %scan3A_89 = arith.constant 1 : i32
    %scan3A_90 = scf.for %scan3A_153 = %scan3A_86 to %scan3A_88 step %scan3A_89 iter_args(%scan3A_154 = %scan3A_85) -> (i32)  : i32 {
      %mul3A_155 = arith.constant 3 : i32
      %mul3A_156 = arith.muli %mul3A_155, %scan3A_153 : i32
      %add3A_157 = arith.constant 2 : i32
      %add3A_158 = arith.addi %mul3A_156, %add3A_157 : i32
      %mul3A_159 = arith.constant 80 : i32
      %mul3A_160 = arith.muli %add3A_158, %mul3A_159 : i32
      %dma_wait3A_161 = tpu.memref_slice %arg5[%mul3A_160] : memref<10000xi32, #tpu.memory_space<vmem>> -> memref<80xi32, #tpu.memory_space<vmem>>
      %dma_wait3A_162 = arith.constant 0 : i32
      %dma_wait3A_163 = arith.constant 0 : i32
      %dma_wait3A_164 = tpu.memref_slice %arg2[%dma_wait3A_162, %dma_wait3A_163] : memref<10000x128xf32, #tpu.memory_space<hbm>> -> memref<10000x128xf32, #tpu.memory_space<hbm>>
      tpu.wait_indirect_dma semaphore(%arg13 : memref<!tpu.dma_semaphore, #tpu.memory_space<semaphore_mem>>) src(%dma_wait3A_164 : memref<10000x128xf32, #tpu.memory_space<hbm>>) dst(%arg9 : memref<80x128xf32, #tpu.memory_space<vmem>>)
      %mul3A_165 = arith.constant 80 : i32
      %mul3A_166 = arith.muli %add3A_158, %mul3A_165 : i32
      %dma_start3A_167 = tpu.memref_slice %arg6[%mul3A_166] : memref<10000xi32, #tpu.memory_space<vmem>> -> memref<80xi32, #tpu.memory_space<vmem>>
      %dma_start3A_168 = arith.constant 0 : i32
      %dma_start3A_169 = arith.constant 0 : i32
      %dma_start3A_170 = tpu.memref_slice %arg10[%dma_start3A_168, %dma_start3A_169] : memref<10000x128xf32, #tpu.memory_space<vmem_shared>> -> memref<10000x128xf32, #tpu.memory_space<vmem_shared>>
      tpu.enqueue_indirect_dma source(%arg9 : memref<80x128xf32, #tpu.memory_space<vmem>>) target(%dma_start3A_170 : memref<10000x128xf32, #tpu.memory_space<vmem_shared>>) offsets(%dma_start3A_167 : memref<80xi32, #tpu.memory_space<vmem>>) semaphore(%arg16 : memref<!tpu.dma_semaphore, #tpu.memory_space<semaphore_mem>>) {add = true}
      %sub3A = arith.constant 1 : i32
      %sub3A_171 = arith.subi %add3A_158, %sub3A : i32
      %mul3A_172 = arith.constant 80 : i32
      %mul3A_173 = arith.muli %sub3A_171, %mul3A_172 : i32
      %dma_wait3A_174 = tpu.memref_slice %arg6[%mul3A_173] : memref<10000xi32, #tpu.memory_space<vmem>> -> memref<80xi32, #tpu.memory_space<vmem>>
      %dma_wait3A_175 = arith.constant 0 : i32
      %dma_wait3A_176 = arith.constant 0 : i32
      %dma_wait3A_177 = tpu.memref_slice %arg10[%dma_wait3A_175, %dma_wait3A_176] : memref<10000x128xf32, #tpu.memory_space<vmem_shared>> -> memref<10000x128xf32, #tpu.memory_space<vmem_shared>>
      tpu.wait_indirect_dma semaphore(%arg15 : memref<!tpu.dma_semaphore, #tpu.memory_space<semaphore_mem>>) src(%arg8 : memref<80x128xf32, #tpu.memory_space<vmem>>) dst(%dma_wait3A_177 : memref<10000x128xf32, #tpu.memory_space<vmem_shared>>)
      %add3A_178 = arith.constant 2 : i32
      %add3A_179 = arith.addi %add3A_158, %add3A_178 : i32
      %mul3A_180 = arith.constant 80 : i32
      %mul3A_181 = arith.muli %add3A_179, %mul3A_180 : i32
      %dma_start3A_182 = tpu.memref_slice %arg5[%mul3A_181] : memref<10000xi32, #tpu.memory_space<vmem>> -> memref<80xi32, #tpu.memory_space<vmem>>
      %dma_start3A_183 = arith.constant 0 : i32
      %dma_start3A_184 = arith.constant 0 : i32
      %dma_start3A_185 = tpu.memref_slice %arg2[%dma_start3A_183, %dma_start3A_184] : memref<10000x128xf32, #tpu.memory_space<hbm>> -> memref<10000x128xf32, #tpu.memory_space<hbm>>
      tpu.enqueue_indirect_dma source(%dma_start3A_185 : memref<10000x128xf32, #tpu.memory_space<hbm>>) target(%arg8 : memref<80x128xf32, #tpu.memory_space<vmem>>) offsets(%dma_start3A_182 : memref<80xi32, #tpu.memory_space<vmem>>) semaphore(%arg12 : memref<!tpu.dma_semaphore, #tpu.memory_space<semaphore_mem>>)
      %add3A_186 = arith.constant 1 : i32
      %add3A_187 = arith.addi %add3A_158, %add3A_186 : i32
      %mul3A_188 = arith.constant 80 : i32
      %mul3A_189 = arith.muli %add3A_187, %mul3A_188 : i32
      %dma_wait3A_190 = tpu.memref_slice %arg5[%mul3A_189] : memref<10000xi32, #tpu.memory_space<vmem>> -> memref<80xi32, #tpu.memory_space<vmem>>
      %dma_wait3A_191 = arith.constant 0 : i32
      %dma_wait3A_192 = arith.constant 0 : i32
      %dma_wait3A_193 = tpu.memref_slice %arg2[%dma_wait3A_191, %dma_wait3A_192] : memref<10000x128xf32, #tpu.memory_space<hbm>> -> memref<10000x128xf32, #tpu.memory_space<hbm>>
      tpu.wait_indirect_dma semaphore(%arg11 : memref<!tpu.dma_semaphore, #tpu.memory_space<semaphore_mem>>) src(%dma_wait3A_193 : memref<10000x128xf32, #tpu.memory_space<hbm>>) dst(%arg7 : memref<80x128xf32, #tpu.memory_space<vmem>>)
      %mul3A_194 = arith.constant 80 : i32
      %mul3A_195 = arith.muli %add3A_187, %mul3A_194 : i32
      %dma_start3A_196 = tpu.memref_slice %arg6[%mul3A_195] : memref<10000xi32, #tpu.memory_space<vmem>> -> memref<80xi32, #tpu.memory_space<vmem>>
      %dma_start3A_197 = arith.constant 0 : i32
      %dma_start3A_198 = arith.constant 0 : i32
      %dma_start3A_199 = tpu.memref_slice %arg10[%dma_start3A_197, %dma_start3A_198] : memref<10000x128xf32, #tpu.memory_space<vmem_shared>> -> memref<10000x128xf32, #tpu.memory_space<vmem_shared>>
      tpu.enqueue_indirect_dma source(%arg7 : memref<80x128xf32, #tpu.memory_space<vmem>>) target(%dma_start3A_199 : memref<10000x128xf32, #tpu.memory_space<vmem_shared>>) offsets(%dma_start3A_196 : memref<80xi32, #tpu.memory_space<vmem>>) semaphore(%arg14 : memref<!tpu.dma_semaphore, #tpu.memory_space<semaphore_mem>>) {add = true}
      %sub3A_200 = arith.constant 1 : i32
      %sub3A_201 = arith.subi %add3A_187, %sub3A_200 : i32
      %mul3A_202 = arith.constant 80 : i32
      %mul3A_203 = arith.muli %sub3A_201, %mul3A_202 : i32
      %dma_wait3A_204 = tpu.memref_slice %arg6[%mul3A_203] : memref<10000xi32, #tpu.memory_space<vmem>> -> memref<80xi32, #tpu.memory_space<vmem>>
      %dma_wait3A_205 = arith.constant 0 : i32
      %dma_wait3A_206 = arith.constant 0 : i32
      %dma_wait3A_207 = tpu.memref_slice %arg10[%dma_wait3A_205, %dma_wait3A_206] : memref<10000x128xf32, #tpu.memory_space<vmem_shared>> -> memref<10000x128xf32, #tpu.memory_space<vmem_shared>>
      tpu.wait_indirect_dma semaphore(%arg16 : memref<!tpu.dma_semaphore, #tpu.memory_space<semaphore_mem>>) src(%arg9 : memref<80x128xf32, #tpu.memory_space<vmem>>) dst(%dma_wait3A_207 : memref<10000x128xf32, #tpu.memory_space<vmem_shared>>)
      %add3A_208 = arith.constant 2 : i32
      %add3A_209 = arith.addi %add3A_187, %add3A_208 : i32
      %mul3A_210 = arith.constant 80 : i32
      %mul3A_211 = arith.muli %add3A_209, %mul3A_210 : i32
      %dma_start3A_212 = tpu.memref_slice %arg5[%mul3A_211] : memref<10000xi32, #tpu.memory_space<vmem>> -> memref<80xi32, #tpu.memory_space<vmem>>
      %dma_start3A_213 = arith.constant 0 : i32
      %dma_start3A_214 = arith.constant 0 : i32
      %dma_start3A_215 = tpu.memref_slice %arg2[%dma_start3A_213, %dma_start3A_214] : memref<10000x128xf32, #tpu.memory_space<hbm>> -> memref<10000x128xf32, #tpu.memory_space<hbm>>
      tpu.enqueue_indirect_dma source(%dma_start3A_215 : memref<10000x128xf32, #tpu.memory_space<hbm>>) target(%arg9 : memref<80x128xf32, #tpu.memory_space<vmem>>) offsets(%dma_start3A_212 : memref<80xi32, #tpu.memory_space<vmem>>) semaphore(%arg13 : memref<!tpu.dma_semaphore, #tpu.memory_space<semaphore_mem>>)
      %add3A_216 = arith.constant 2 : i32
      %add3A_217 = arith.addi %add3A_158, %add3A_216 : i32
      %mul3A_218 = arith.constant 80 : i32
      %mul3A_219 = arith.muli %add3A_217, %mul3A_218 : i32
      %dma_wait3A_220 = tpu.memref_slice %arg5[%mul3A_219] : memref<10000xi32, #tpu.memory_space<vmem>> -> memref<80xi32, #tpu.memory_space<vmem>>
      %dma_wait3A_221 = arith.constant 0 : i32
      %dma_wait3A_222 = arith.constant 0 : i32
      %dma_wait3A_223 = tpu.memref_slice %arg2[%dma_wait3A_221, %dma_wait3A_222] : memref<10000x128xf32, #tpu.memory_space<hbm>> -> memref<10000x128xf32, #tpu.memory_space<hbm>>
      tpu.wait_indirect_dma semaphore(%arg12 : memref<!tpu.dma_semaphore, #tpu.memory_space<semaphore_mem>>) src(%dma_wait3A_223 : memref<10000x128xf32, #tpu.memory_space<hbm>>) dst(%arg8 : memref<80x128xf32, #tpu.memory_space<vmem>>)
      %mul3A_224 = arith.constant 80 : i32
      %mul3A_225 = arith.muli %add3A_217, %mul3A_224 : i32
      %dma_start3A_226 = tpu.memref_slice %arg6[%mul3A_225] : memref<10000xi32, #tpu.memory_space<vmem>> -> memref<80xi32, #tpu.memory_space<vmem>>
      %dma_start3A_227 = arith.constant 0 : i32
      %dma_start3A_228 = arith.constant 0 : i32
      %dma_start3A_229 = tpu.memref_slice %arg10[%dma_start3A_227, %dma_start3A_228] : memref<10000x128xf32, #tpu.memory_space<vmem_shared>> -> memref<10000x128xf32, #tpu.memory_space<vmem_shared>>
      tpu.enqueue_indirect_dma source(%arg8 : memref<80x128xf32, #tpu.memory_space<vmem>>) target(%dma_start3A_229 : memref<10000x128xf32, #tpu.memory_space<vmem_shared>>) offsets(%dma_start3A_226 : memref<80xi32, #tpu.memory_space<vmem>>) semaphore(%arg15 : memref<!tpu.dma_semaphore, #tpu.memory_space<semaphore_mem>>) {add = true}
      %sub3A_230 = arith.constant 1 : i32
      %sub3A_231 = arith.subi %add3A_217, %sub3A_230 : i32
      %mul3A_232 = arith.constant 80 : i32
      %mul3A_233 = arith.muli %sub3A_231, %mul3A_232 : i32
      %dma_wait3A_234 = tpu.memref_slice %arg6[%mul3A_233] : memref<10000xi32, #tpu.memory_space<vmem>> -> memref<80xi32, #tpu.memory_space<vmem>>
      %dma_wait3A_235 = arith.constant 0 : i32
      %dma_wait3A_236 = arith.constant 0 : i32
      %dma_wait3A_237 = tpu.memref_slice %arg10[%dma_wait3A_235, %dma_wait3A_236] : memref<10000x128xf32, #tpu.memory_space<vmem_shared>> -> memref<10000x128xf32, #tpu.memory_space<vmem_shared>>
      tpu.wait_indirect_dma semaphore(%arg14 : memref<!tpu.dma_semaphore, #tpu.memory_space<semaphore_mem>>) src(%arg7 : memref<80x128xf32, #tpu.memory_space<vmem>>) dst(%dma_wait3A_237 : memref<10000x128xf32, #tpu.memory_space<vmem_shared>>)
      %add3A_238 = arith.constant 2 : i32
      %add3A_239 = arith.addi %add3A_217, %add3A_238 : i32
      %mul3A_240 = arith.constant 80 : i32
      %mul3A_241 = arith.muli %add3A_239, %mul3A_240 : i32
      %dma_start3A_242 = tpu.memref_slice %arg5[%mul3A_241] : memref<10000xi32, #tpu.memory_space<vmem>> -> memref<80xi32, #tpu.memory_space<vmem>>
      %dma_start3A_243 = arith.constant 0 : i32
      %dma_start3A_244 = arith.constant 0 : i32
      %dma_start3A_245 = tpu.memref_slice %arg2[%dma_start3A_243, %dma_start3A_244] : memref<10000x128xf32, #tpu.memory_space<hbm>> -> memref<10000x128xf32, #tpu.memory_space<hbm>>
      tpu.enqueue_indirect_dma source(%dma_start3A_245 : memref<10000x128xf32, #tpu.memory_space<hbm>>) target(%arg7 : memref<80x128xf32, #tpu.memory_space<vmem>>) offsets(%dma_start3A_242 : memref<80xi32, #tpu.memory_space<vmem>>) semaphore(%arg11 : memref<!tpu.dma_semaphore, #tpu.memory_space<semaphore_mem>>)
      %scan3A_246 = arith.constant 0 : i32
      scf.yield %scan3A_246 : i32
    }
    %scan3A_91 = arith.constant 40 : i32
    %dma_wait3A_92 = arith.constant 9760 : i32
    %dma_wait3A_93 = tpu.memref_slice %arg5[%dma_wait3A_92] : memref<10000xi32, #tpu.memory_space<vmem>> -> memref<80xi32, #tpu.memory_space<vmem>>
    %dma_wait3A_94 = arith.constant 0 : i32
    %dma_wait3A_95 = arith.constant 0 : i32
    %dma_wait3A_96 = tpu.memref_slice %arg2[%dma_wait3A_94, %dma_wait3A_95] : memref<10000x128xf32, #tpu.memory_space<hbm>> -> memref<10000x128xf32, #tpu.memory_space<hbm>>
    tpu.wait_indirect_dma semaphore(%arg13 : memref<!tpu.dma_semaphore, #tpu.memory_space<semaphore_mem>>) src(%dma_wait3A_96 : memref<10000x128xf32, #tpu.memory_space<hbm>>) dst(%arg9 : memref<80x128xf32, #tpu.memory_space<vmem>>)
    %dma_start3A_97 = arith.constant 9760 : i32
    %dma_start3A_98 = tpu.memref_slice %arg6[%dma_start3A_97] : memref<10000xi32, #tpu.memory_space<vmem>> -> memref<80xi32, #tpu.memory_space<vmem>>
    %dma_start3A_99 = arith.constant 0 : i32
    %dma_start3A_100 = arith.constant 0 : i32
    %dma_start3A_101 = tpu.memref_slice %arg10[%dma_start3A_99, %dma_start3A_100] : memref<10000x128xf32, #tpu.memory_space<vmem_shared>> -> memref<10000x128xf32, #tpu.memory_space<vmem_shared>>
    tpu.enqueue_indirect_dma source(%arg9 : memref<80x128xf32, #tpu.memory_space<vmem>>) target(%dma_start3A_101 : memref<10000x128xf32, #tpu.memory_space<vmem_shared>>) offsets(%dma_start3A_98 : memref<80xi32, #tpu.memory_space<vmem>>) semaphore(%arg16 : memref<!tpu.dma_semaphore, #tpu.memory_space<semaphore_mem>>) {add = true}
    %dma_wait3A_102 = arith.constant 9680 : i32
    %dma_wait3A_103 = tpu.memref_slice %arg6[%dma_wait3A_102] : memref<10000xi32, #tpu.memory_space<vmem>> -> memref<80xi32, #tpu.memory_space<vmem>>
    %dma_wait3A_104 = arith.constant 0 : i32
    %dma_wait3A_105 = arith.constant 0 : i32
    %dma_wait3A_106 = tpu.memref_slice %arg10[%dma_wait3A_104, %dma_wait3A_105] : memref<10000x128xf32, #tpu.memory_space<vmem_shared>> -> memref<10000x128xf32, #tpu.memory_space<vmem_shared>>
    tpu.wait_indirect_dma semaphore(%arg15 : memref<!tpu.dma_semaphore, #tpu.memory_space<semaphore_mem>>) src(%arg8 : memref<80x128xf32, #tpu.memory_space<vmem>>) dst(%dma_wait3A_106 : memref<10000x128xf32, #tpu.memory_space<vmem_shared>>)
    %dma_start3A_107 = arith.constant 9920 : i32
    %dma_start3A_108 = tpu.memref_slice %arg5[%dma_start3A_107] : memref<10000xi32, #tpu.memory_space<vmem>> -> memref<80xi32, #tpu.memory_space<vmem>>
    %dma_start3A_109 = arith.constant 0 : i32
    %dma_start3A_110 = arith.constant 0 : i32
    %dma_start3A_111 = tpu.memref_slice %arg2[%dma_start3A_109, %dma_start3A_110] : memref<10000x128xf32, #tpu.memory_space<hbm>> -> memref<10000x128xf32, #tpu.memory_space<hbm>>
    tpu.enqueue_indirect_dma source(%dma_start3A_111 : memref<10000x128xf32, #tpu.memory_space<hbm>>) target(%arg8 : memref<80x128xf32, #tpu.memory_space<vmem>>) offsets(%dma_start3A_108 : memref<80xi32, #tpu.memory_space<vmem>>) semaphore(%arg12 : memref<!tpu.dma_semaphore, #tpu.memory_space<semaphore_mem>>)
    %dma_wait3A_112 = arith.constant 9840 : i32
    %dma_wait3A_113 = tpu.memref_slice %arg5[%dma_wait3A_112] : memref<10000xi32, #tpu.memory_space<vmem>> -> memref<80xi32, #tpu.memory_space<vmem>>
    %dma_wait3A_114 = arith.constant 0 : i32
    %dma_wait3A_115 = arith.constant 0 : i32
    %dma_wait3A_116 = tpu.memref_slice %arg2[%dma_wait3A_114, %dma_wait3A_115] : memref<10000x128xf32, #tpu.memory_space<hbm>> -> memref<10000x128xf32, #tpu.memory_space<hbm>>
    tpu.wait_indirect_dma semaphore(%arg11 : memref<!tpu.dma_semaphore, #tpu.memory_space<semaphore_mem>>) src(%dma_wait3A_116 : memref<10000x128xf32, #tpu.memory_space<hbm>>) dst(%arg7 : memref<80x128xf32, #tpu.memory_space<vmem>>)
    %dma_start3A_117 = arith.constant 9840 : i32
    %dma_start3A_118 = tpu.memref_slice %arg6[%dma_start3A_117] : memref<10000xi32, #tpu.memory_space<vmem>> -> memref<80xi32, #tpu.memory_space<vmem>>
    %dma_start3A_119 = arith.constant 0 : i32
    %dma_start3A_120 = arith.constant 0 : i32
    %dma_start3A_121 = tpu.memref_slice %arg10[%dma_start3A_119, %dma_start3A_120] : memref<10000x128xf32, #tpu.memory_space<vmem_shared>> -> memref<10000x128xf32, #tpu.memory_space<vmem_shared>>
    tpu.enqueue_indirect_dma source(%arg7 : memref<80x128xf32, #tpu.memory_space<vmem>>) target(%dma_start3A_121 : memref<10000x128xf32, #tpu.memory_space<vmem_shared>>) offsets(%dma_start3A_118 : memref<80xi32, #tpu.memory_space<vmem>>) semaphore(%arg14 : memref<!tpu.dma_semaphore, #tpu.memory_space<semaphore_mem>>) {add = true}
    %dma_wait3A_122 = arith.constant 9760 : i32
    %dma_wait3A_123 = tpu.memref_slice %arg6[%dma_wait3A_122] : memref<10000xi32, #tpu.memory_space<vmem>> -> memref<80xi32, #tpu.memory_space<vmem>>
    %dma_wait3A_124 = arith.constant 0 : i32
    %dma_wait3A_125 = arith.constant 0 : i32
    %dma_wait3A_126 = tpu.memref_slice %arg10[%dma_wait3A_124, %dma_wait3A_125] : memref<10000x128xf32, #tpu.memory_space<vmem_shared>> -> memref<10000x128xf32, #tpu.memory_space<vmem_shared>>
    tpu.wait_indirect_dma semaphore(%arg16 : memref<!tpu.dma_semaphore, #tpu.memory_space<semaphore_mem>>) src(%arg9 : memref<80x128xf32, #tpu.memory_space<vmem>>) dst(%dma_wait3A_126 : memref<10000x128xf32, #tpu.memory_space<vmem_shared>>)
    %dma_wait3A_127 = arith.constant 9920 : i32
    %dma_wait3A_128 = tpu.memref_slice %arg5[%dma_wait3A_127] : memref<10000xi32, #tpu.memory_space<vmem>> -> memref<80xi32, #tpu.memory_space<vmem>>
    %dma_wait3A_129 = arith.constant 0 : i32
    %dma_wait3A_130 = arith.constant 0 : i32
    %dma_wait3A_131 = tpu.memref_slice %arg2[%dma_wait3A_129, %dma_wait3A_130] : memref<10000x128xf32, #tpu.memory_space<hbm>> -> memref<10000x128xf32, #tpu.memory_space<hbm>>
    tpu.wait_indirect_dma semaphore(%arg12 : memref<!tpu.dma_semaphore, #tpu.memory_space<semaphore_mem>>) src(%dma_wait3A_131 : memref<10000x128xf32, #tpu.memory_space<hbm>>) dst(%arg8 : memref<80x128xf32, #tpu.memory_space<vmem>>)
    %dma_start3A_132 = arith.constant 9920 : i32
    %dma_start3A_133 = tpu.memref_slice %arg6[%dma_start3A_132] : memref<10000xi32, #tpu.memory_space<vmem>> -> memref<80xi32, #tpu.memory_space<vmem>>
    %dma_start3A_134 = arith.constant 0 : i32
    %dma_start3A_135 = arith.constant 0 : i32
    %dma_start3A_136 = tpu.memref_slice %arg10[%dma_start3A_134, %dma_start3A_135] : memref<10000x128xf32, #tpu.memory_space<vmem_shared>> -> memref<10000x128xf32, #tpu.memory_space<vmem_shared>>
    tpu.enqueue_indirect_dma source(%arg8 : memref<80x128xf32, #tpu.memory_space<vmem>>) target(%dma_start3A_136 : memref<10000x128xf32, #tpu.memory_space<vmem_shared>>) offsets(%dma_start3A_133 : memref<80xi32, #tpu.memory_space<vmem>>) semaphore(%arg15 : memref<!tpu.dma_semaphore, #tpu.memory_space<semaphore_mem>>) {add = true}
    %dma_wait3A_137 = arith.constant 9840 : i32
    %dma_wait3A_138 = tpu.memref_slice %arg6[%dma_wait3A_137] : memref<10000xi32, #tpu.memory_space<vmem>> -> memref<80xi32, #tpu.memory_space<vmem>>
    %dma_wait3A_139 = arith.constant 0 : i32
    %dma_wait3A_140 = arith.constant 0 : i32
    %dma_wait3A_141 = tpu.memref_slice %arg10[%dma_wait3A_139, %dma_wait3A_140] : memref<10000x128xf32, #tpu.memory_space<vmem_shared>> -> memref<10000x128xf32, #tpu.memory_space<vmem_shared>>
    tpu.wait_indirect_dma semaphore(%arg14 : memref<!tpu.dma_semaphore, #tpu.memory_space<semaphore_mem>>) src(%arg7 : memref<80x128xf32, #tpu.memory_space<vmem>>) dst(%dma_wait3A_141 : memref<10000x128xf32, #tpu.memory_space<vmem_shared>>)
    %dma_wait3A_142 = arith.constant 9920 : i32
    %dma_wait3A_143 = tpu.memref_slice %arg6[%dma_wait3A_142] : memref<10000xi32, #tpu.memory_space<vmem>> -> memref<80xi32, #tpu.memory_space<vmem>>
    %dma_wait3A_144 = arith.constant 0 : i32
    %dma_wait3A_145 = arith.constant 0 : i32
    %dma_wait3A_146 = tpu.memref_slice %arg10[%dma_wait3A_144, %dma_wait3A_145] : memref<10000x128xf32, #tpu.memory_space<vmem_shared>> -> memref<10000x128xf32, #tpu.memory_space<vmem_shared>>
    tpu.wait_indirect_dma semaphore(%arg15 : memref<!tpu.dma_semaphore, #tpu.memory_space<semaphore_mem>>) src(%arg8 : memref<80x128xf32, #tpu.memory_space<vmem>>) dst(%dma_wait3A_146 : memref<10000x128xf32, #tpu.memory_space<vmem_shared>>)
    %barrier3A_147 = arith.constant 0 : index
    tpu.barrier barrier_id(%barrier3A_147)
    "tpu.region"() ({
      %run_scoped3A = tpu.sem_alloc : memref<!tpu.dma_semaphore, #tpu.memory_space<semaphore_mem>>
      %dma_start3A_153 = arith.constant 0 : i32
      %dma_start3A_154 = tpu.memref_slice %arg4[%arg0, %mul3A_2, %dma_start3A_153] : memref<2x10000x128xf32, #tpu.memory_space<hbm>> -> memref<1x624x128xf32, #tpu.memory_space<hbm>>
      %dma_start3A_155 = tpu.memref_squeeze %dma_start3A_154 : memref<1x624x128xf32, #tpu.memory_space<hbm>> -> memref<624x128xf32, #tpu.memory_space<hbm>>
      %dma_start3A_156 = arith.constant 0 : i32
      %dma_start3A_157 = tpu.memref_slice %arg10[%mul3A_2, %dma_start3A_156] : memref<10000x128xf32, #tpu.memory_space<vmem_shared>> -> memref<624x128xf32, #tpu.memory_space<vmem_shared>>
      tpu.enqueue_dma source(%dma_start3A_157 : memref<624x128xf32, #tpu.memory_space<vmem_shared>>) target(%dma_start3A_155 : memref<624x128xf32, #tpu.memory_space<hbm>>) target_semaphore(%run_scoped3A : memref<!tpu.dma_semaphore, #tpu.memory_space<semaphore_mem>>)
      %dma_wait3A_158 = arith.constant 0 : i32
      %dma_wait3A_159 = tpu.memref_slice %arg4[%arg0, %mul3A_2, %dma_wait3A_158] : memref<2x10000x128xf32, #tpu.memory_space<hbm>> -> memref<1x624x128xf32, #tpu.memory_space<hbm>>
      %dma_wait3A_160 = tpu.memref_squeeze %dma_wait3A_159 : memref<1x624x128xf32, #tpu.memory_space<hbm>> -> memref<624x128xf32, #tpu.memory_space<hbm>>
      %dma_wait3A_161 = arith.constant 0 : i32
      %dma_wait3A_162 = tpu.memref_slice %arg10[%mul3A_2, %dma_wait3A_161] : memref<10000x128xf32, #tpu.memory_space<vmem_shared>> -> memref<624x128xf32, #tpu.memory_space<vmem_shared>>
      tpu.wait_dma2 semaphore(%run_scoped3A : memref<!tpu.dma_semaphore, #tpu.memory_space<semaphore_mem>>) src(%dma_wait3A_162 : memref<624x128xf32, #tpu.memory_space<vmem_shared>>) dst(%dma_wait3A_160 : memref<624x128xf32, #tpu.memory_space<hbm>>)
      tpu.yield
    }) : () -> ()
    %eq3A_148 = arith.constant 0 : i32
    %eq3A_149 = arith.cmpi eq, %arg1, %eq3A_148 : i32
    %convert_element_type3A_150 = arith.extui %eq3A_149 : i1 to i32
    %cond3A_151 = arith.constant 0 : i32
    %cond3A_152 = arith.cmpi ne, %convert_element_type3A_150, %cond3A_151 : i32
    scf.if %cond3A_152 {
      "tpu.region"() ({
        %run_scoped3A = tpu.sem_alloc : memref<!tpu.dma_semaphore, #tpu.memory_space<semaphore_mem>>
        %dma_start3A_153 = arith.constant 9984 : i32
        %dma_start3A_154 = arith.constant 0 : i32
        %dma_start3A_155 = tpu.memref_slice %arg4[%arg0, %dma_start3A_153, %dma_start3A_154] : memref<2x10000x128xf32, #tpu.memory_space<hbm>> -> memref<1x16x128xf32, #tpu.memory_space<hbm>>
        %dma_start3A_156 = tpu.memref_squeeze %dma_start3A_155 : memref<1x16x128xf32, #tpu.memory_space<hbm>> -> memref<16x128xf32, #tpu.memory_space<hbm>>
        %dma_start3A_157 = arith.constant 9984 : i32
        %dma_start3A_158 = arith.constant 0 : i32
        %dma_start3A_159 = tpu.memref_slice %arg10[%dma_start3A_157, %dma_start3A_158] : memref<10000x128xf32, #tpu.memory_space<vmem_shared>> -> memref<16x128xf32, #tpu.memory_space<vmem_shared>>
        tpu.enqueue_dma source(%dma_start3A_159 : memref<16x128xf32, #tpu.memory_space<vmem_shared>>) target(%dma_start3A_156 : memref<16x128xf32, #tpu.memory_space<hbm>>) target_semaphore(%run_scoped3A : memref<!tpu.dma_semaphore, #tpu.memory_space<semaphore_mem>>)
        %dma_wait3A_160 = arith.constant 9984 : i32
        %dma_wait3A_161 = arith.constant 0 : i32
        %dma_wait3A_162 = tpu.memref_slice %arg4[%arg0, %dma_wait3A_160, %dma_wait3A_161] : memref<2x10000x128xf32, #tpu.memory_space<hbm>> -> memref<1x16x128xf32, #tpu.memory_space<hbm>>
        %dma_wait3A_163 = tpu.memref_squeeze %dma_wait3A_162 : memref<1x16x128xf32, #tpu.memory_space<hbm>> -> memref<16x128xf32, #tpu.memory_space<hbm>>
        %dma_wait3A_164 = arith.constant 9984 : i32
        %dma_wait3A_165 = arith.constant 0 : i32
        %dma_wait3A_166 = tpu.memref_slice %arg10[%dma_wait3A_164, %dma_wait3A_165] : memref<10000x128xf32, #tpu.memory_space<vmem_shared>> -> memref<16x128xf32, #tpu.memory_space<vmem_shared>>
        tpu.wait_dma2 semaphore(%run_scoped3A : memref<!tpu.dma_semaphore, #tpu.memory_space<semaphore_mem>>) src(%dma_wait3A_166 : memref<16x128xf32, #tpu.memory_space<vmem_shared>>) dst(%dma_wait3A_163 : memref<16x128xf32, #tpu.memory_space<hbm>>)
        tpu.yield
      }) : () -> ()
    } else {
    }
    return
  }
}

#map = affine_map<(d0, d1) -> (0, 0)>
#map1 = affine_map<(d0, d1) -> (0)>
#map2 = affine_map<(d0, d1) -> (0, 0, 0)>
module attributes {stable_mosaic.version = 14 : i64} {
  func.func @_sc_body(%arg0: i32, %arg1: i32, %arg2: memref<10000x128xf32, #tpu.memory_space<hbm>>, %arg3: memref<640000xi32, #tpu.memory_space<hbm>>, %arg4: memref<2x10000x128xf32, #tpu.memory_space<hbm>>, %arg5: memref<10000xi32, #tpu.memory_space<vmem>>, %arg6: memref<10000xi32, #tpu.memory_space<vmem>>, %arg7: memref<80x128xf32, #tpu.memory_space<vmem>>, %arg8: memref<80x128xf32, #tpu.memory_space<vmem>>, %arg9: memref<80x128xf32, #tpu.memory_space<vmem>>, %arg10: memref<10000x128xf32, #tpu.memory_space<vmem_shared>>, %arg11: memref<!tpu.dma_semaphore, #tpu.memory_space<semaphore_mem>>, %arg12: memref<!tpu.dma_semaphore, #tpu.memory_space<semaphore_mem>>, %arg13: memref<!tpu.dma_semaphore, #tpu.memory_space<semaphore_mem>>, %arg14: memref<!tpu.dma_semaphore, #tpu.memory_space<semaphore_mem>>, %arg15: memref<!tpu.dma_semaphore, #tpu.memory_space<semaphore_mem>>, %arg16: memref<!tpu.dma_semaphore, #tpu.memory_space<semaphore_mem>>) attributes {dimension_semantics = [#tpu.dimension_semantics<core_parallel>, #tpu.dimension_semantics<subcore_parallel>], iteration_bounds = array<i64: 2, 16>, scalar_prefetch = 0 : i64, scratch_operands = 12 : i64, tpu.core_type = #tpu.core_type<sc_vector_subcore>, window_params = [{transform_indices = #map}, {transform_indices = #map1}, {transform_indices = #map2}]} {
    %mul3A = arith.constant 2 : i32
    %mul3A_0 = arith.muli %arg1, %mul3A : i32
    %add3A = arith.addi %mul3A_0, %arg0 : i32
    %mul3A_1 = arith.constant 624 : i32
    %mul3A_2 = arith.muli %arg1, %mul3A_1 : i32
    %mul3A_3 = arith.constant 10000 : i32
    %mul3A_4 = arith.muli %add3A, %mul3A_3 : i32
    %dma_start3A = tpu.memref_slice %arg3[%mul3A_4] : memref<640000xi32, #tpu.memory_space<hbm>> -> memref<10000xi32, #tpu.memory_space<hbm>>
    %dma_start3A_5 = tpu.memref_slice %arg3[%mul3A_4] : memref<640000xi32, #tpu.memory_space<hbm>> -> memref<10000xi32, #tpu.memory_space<hbm>>
    tpu.enqueue_dma source(%dma_start3A_5 : memref<10000xi32, #tpu.memory_space<hbm>>) target(%arg5 : memref<10000xi32, #tpu.memory_space<vmem>>) target_semaphore(%arg11 : memref<!tpu.dma_semaphore, #tpu.memory_space<semaphore_mem>>)
    %mul3A_6 = arith.constant 10000 : i32
    %mul3A_7 = arith.muli %add3A, %mul3A_6 : i32
    %add3A_8 = arith.constant 320000 : i32
    %add3A_9 = arith.addi %add3A_8, %mul3A_7 : i32
    %dma_start3A_10 = tpu.memref_slice %arg3[%add3A_9] : memref<640000xi32, #tpu.memory_space<hbm>> -> memref<10000xi32, #tpu.memory_space<hbm>>
    %dma_start3A_11 = tpu.memref_slice %arg3[%add3A_9] : memref<640000xi32, #tpu.memory_space<hbm>> -> memref<10000xi32, #tpu.memory_space<hbm>>
    tpu.enqueue_dma source(%dma_start3A_11 : memref<10000xi32, #tpu.memory_space<hbm>>) target(%arg6 : memref<10000xi32, #tpu.memory_space<vmem>>) target_semaphore(%arg12 : memref<!tpu.dma_semaphore, #tpu.memory_space<semaphore_mem>>)
    %broadcast_in_dim3A = arith.constant 0.000000e+00 : f32
    %broadcast_in_dim3A_12 = vector.broadcast %broadcast_in_dim3A : f32 to vector<16xf32>
    %scan3A = arith.constant 0 : i32
    %scan3A_13 = arith.constant 0 : i32
    %scan3A_14 = arith.constant 80 : i32
    %scan3A_15 = arith.addi %scan3A_13, %scan3A_14 : i32
    %scan3A_16 = arith.constant 1 : i32
    %scan3A_17 = scf.for %scan3A_153 = %scan3A_13 to %scan3A_15 step %scan3A_16 iter_args(%scan3A_154 = %scan3A) -> (i32)  : i32 {
      %swap3A = arith.index_cast %scan3A_153 : i32 to index
      %swap3A_155 = arith.constant 0 : index
      %swap3A_156 = tpu.vector_load %arg7[%swap3A, %swap3A_155] {strides = array<i32>} : memref<80x128xf32, #tpu.memory_space<vmem>>, vector<1x16xf32>,
      %swap3A_157 = vector.shape_cast %swap3A_156 : vector<1x16xf32> to vector<16xf32>
      %swap3A_158 = vector.shape_cast %broadcast_in_dim3A_12 : vector<16xf32> to vector<1x16xf32>
      tpu.vector_store %arg7[%swap3A, %swap3A_155], %swap3A_158 {strides = array<i32>} : memref<80x128xf32, #tpu.memory_space<vmem>>, vector<1x16xf32>,
      %swap3A_159 = arith.index_cast %scan3A_153 : i32 to index
      %swap3A_160 = arith.constant 16 : index
      %swap3A_161 = tpu.vector_load %arg7[%swap3A_159, %swap3A_160] {strides = array<i32>} : memref<80x128xf32, #tpu.memory_space<vmem>>, vector<1x16xf32>,
      %swap3A_162 = vector.shape_cast %swap3A_161 : vector<1x16xf32> to vector<16xf32>
      %swap3A_163 = vector.shape_cast %broadcast_in_dim3A_12 : vector<16xf32> to vector<1x16xf32>
      tpu.vector_store %arg7[%swap3A_159, %swap3A_160], %swap3A_163 {strides = array<i32>} : memref<80x128xf32, #tpu.memory_space<vmem>>, vector<1x16xf32>,
      %swap3A_164 = arith.index_cast %scan3A_153 : i32 to index
      %swap3A_165 = arith.constant 32 : index
      %swap3A_166 = tpu.vector_load %arg7[%swap3A_164, %swap3A_165] {strides = array<i32>} : memref<80x128xf32, #tpu.memory_space<vmem>>, vector<1x16xf32>,
      %swap3A_167 = vector.shape_cast %swap3A_166 : vector<1x16xf32> to vector<16xf32>
      %swap3A_168 = vector.shape_cast %broadcast_in_dim3A_12 : vector<16xf32> to vector<1x16xf32>
      tpu.vector_store %arg7[%swap3A_164, %swap3A_165], %swap3A_168 {strides = array<i32>} : memref<80x128xf32, #tpu.memory_space<vmem>>, vector<1x16xf32>,
      %swap3A_169 = arith.index_cast %scan3A_153 : i32 to index
      %swap3A_170 = arith.constant 48 : index
      %swap3A_171 = tpu.vector_load %arg7[%swap3A_169, %swap3A_170] {strides = array<i32>} : memref<80x128xf32, #tpu.memory_space<vmem>>, vector<1x16xf32>,
      %swap3A_172 = vector.shape_cast %swap3A_171 : vector<1x16xf32> to vector<16xf32>
      %swap3A_173 = vector.shape_cast %broadcast_in_dim3A_12 : vector<16xf32> to vector<1x16xf32>
      tpu.vector_store %arg7[%swap3A_169, %swap3A_170], %swap3A_173 {strides = array<i32>} : memref<80x128xf32, #tpu.memory_space<vmem>>, vector<1x16xf32>,
      %swap3A_174 = arith.index_cast %scan3A_153 : i32 to index
      %swap3A_175 = arith.constant 64 : index
      %swap3A_176 = tpu.vector_load %arg7[%swap3A_174, %swap3A_175] {strides = array<i32>} : memref<80x128xf32, #tpu.memory_space<vmem>>, vector<1x16xf32>,
      %swap3A_177 = vector.shape_cast %swap3A_176 : vector<1x16xf32> to vector<16xf32>
      %swap3A_178 = vector.shape_cast %broadcast_in_dim3A_12 : vector<16xf32> to vector<1x16xf32>
      tpu.vector_store %arg7[%swap3A_174, %swap3A_175], %swap3A_178 {strides = array<i32>} : memref<80x128xf32, #tpu.memory_space<vmem>>, vector<1x16xf32>,
      %swap3A_179 = arith.index_cast %scan3A_153 : i32 to index
      %swap3A_180 = arith.constant 80 : index
      %swap3A_181 = tpu.vector_load %arg7[%swap3A_179, %swap3A_180] {strides = array<i32>} : memref<80x128xf32, #tpu.memory_space<vmem>>, vector<1x16xf32>,
      %swap3A_182 = vector.shape_cast %swap3A_181 : vector<1x16xf32> to vector<16xf32>
      %swap3A_183 = vector.shape_cast %broadcast_in_dim3A_12 : vector<16xf32> to vector<1x16xf32>
      tpu.vector_store %arg7[%swap3A_179, %swap3A_180], %swap3A_183 {strides = array<i32>} : memref<80x128xf32, #tpu.memory_space<vmem>>, vector<1x16xf32>,
      %swap3A_184 = arith.index_cast %scan3A_153 : i32 to index
      %swap3A_185 = arith.constant 96 : index
      %swap3A_186 = tpu.vector_load %arg7[%swap3A_184, %swap3A_185] {strides = array<i32>} : memref<80x128xf32, #tpu.memory_space<vmem>>, vector<1x16xf32>,
      %swap3A_187 = vector.shape_cast %swap3A_186 : vector<1x16xf32> to vector<16xf32>
      %swap3A_188 = vector.shape_cast %broadcast_in_dim3A_12 : vector<16xf32> to vector<1x16xf32>
      tpu.vector_store %arg7[%swap3A_184, %swap3A_185], %swap3A_188 {strides = array<i32>} : memref<80x128xf32, #tpu.memory_space<vmem>>, vector<1x16xf32>,
      %swap3A_189 = arith.index_cast %scan3A_153 : i32 to index
      %swap3A_190 = arith.constant 112 : index
      %swap3A_191 = tpu.vector_load %arg7[%swap3A_189, %swap3A_190] {strides = array<i32>} : memref<80x128xf32, #tpu.memory_space<vmem>>, vector<1x16xf32>,
      %swap3A_192 = vector.shape_cast %swap3A_191 : vector<1x16xf32> to vector<16xf32>
      %swap3A_193 = vector.shape_cast %broadcast_in_dim3A_12 : vector<16xf32> to vector<1x16xf32>
      tpu.vector_store %arg7[%swap3A_189, %swap3A_190], %swap3A_193 {strides = array<i32>} : memref<80x128xf32, #tpu.memory_space<vmem>>, vector<1x16xf32>,
      %scan3A_194 = arith.constant 0 : i32
      scf.yield %scan3A_194 : i32
    }
    %scan3A_18 = arith.constant 80 : i32
    %dma_wait3A = tpu.memref_slice %arg3[%mul3A_4] : memref<640000xi32, #tpu.memory_space<hbm>> -> memref<10000xi32, #tpu.memory_space<hbm>>
    %dma_wait3A_19 = tpu.memref_slice %arg3[%mul3A_4] : memref<640000xi32, #tpu.memory_space<hbm>> -> memref<10000xi32, #tpu.memory_space<hbm>>
    tpu.wait_dma2 semaphore(%arg11 : memref<!tpu.dma_semaphore, #tpu.memory_space<semaphore_mem>>) src(%dma_wait3A_19 : memref<10000xi32, #tpu.memory_space<hbm>>) dst(%arg5 : memref<10000xi32, #tpu.memory_space<vmem>>)
    %dma_wait3A_20 = tpu.memref_slice %arg3[%add3A_9] : memref<640000xi32, #tpu.memory_space<hbm>> -> memref<10000xi32, #tpu.memory_space<hbm>>
    %dma_wait3A_21 = tpu.memref_slice %arg3[%add3A_9] : memref<640000xi32, #tpu.memory_space<hbm>> -> memref<10000xi32, #tpu.memory_space<hbm>>
    tpu.wait_dma2 semaphore(%arg12 : memref<!tpu.dma_semaphore, #tpu.memory_space<semaphore_mem>>) src(%dma_wait3A_21 : memref<10000xi32, #tpu.memory_space<hbm>>) dst(%arg6 : memref<10000xi32, #tpu.memory_space<vmem>>)
    %add3A_22 = arith.constant 0 : i32
    %add3A_23 = arith.addi %mul3A_2, %add3A_22 : i32
    "tpu.region"() ({
      %run_scoped3A = tpu.sem_alloc : memref<!tpu.dma_semaphore, #tpu.memory_space<semaphore_mem>>
      %dma_start3A_153 = arith.constant 0 : i32
      %dma_start3A_154 = tpu.memref_slice %arg10[%add3A_23, %dma_start3A_153] : memref<10000x128xf32, #tpu.memory_space<vmem_shared>> -> memref<80x128xf32, #tpu.memory_space<vmem_shared>>
      %dma_start3A_155 = arith.constant 0 : i32
      %dma_start3A_156 = tpu.memref_slice %arg10[%add3A_23, %dma_start3A_155] : memref<10000x128xf32, #tpu.memory_space<vmem_shared>> -> memref<80x128xf32, #tpu.memory_space<vmem_shared>>
      tpu.enqueue_dma source(%arg7 : memref<80x128xf32, #tpu.memory_space<vmem>>) target(%dma_start3A_156 : memref<80x128xf32, #tpu.memory_space<vmem_shared>>) target_semaphore(%run_scoped3A : memref<!tpu.dma_semaphore, #tpu.memory_space<semaphore_mem>>)
      %dma_wait3A_157 = arith.constant 0 : i32
      %dma_wait3A_158 = tpu.memref_slice %arg10[%add3A_23, %dma_wait3A_157] : memref<10000x128xf32, #tpu.memory_space<vmem_shared>> -> memref<80x128xf32, #tpu.memory_space<vmem_shared>>
      %dma_wait3A_159 = arith.constant 0 : i32
      %dma_wait3A_160 = tpu.memref_slice %arg10[%add3A_23, %dma_wait3A_159] : memref<10000x128xf32, #tpu.memory_space<vmem_shared>> -> memref<80x128xf32, #tpu.memory_space<vmem_shared>>
      tpu.wait_dma2 semaphore(%run_scoped3A : memref<!tpu.dma_semaphore, #tpu.memory_space<semaphore_mem>>) src(%arg7 : memref<80x128xf32, #tpu.memory_space<vmem>>) dst(%dma_wait3A_160 : memref<80x128xf32, #tpu.memory_space<vmem_shared>>)
      tpu.yield
    }) : () -> ()
    %add3A_24 = arith.constant 80 : i32
    %add3A_25 = arith.addi %mul3A_2, %add3A_24 : i32
    "tpu.region"() ({
      %run_scoped3A = tpu.sem_alloc : memref<!tpu.dma_semaphore, #tpu.memory_space<semaphore_mem>>
      %dma_start3A_153 = arith.constant 0 : i32
      %dma_start3A_154 = tpu.memref_slice %arg10[%add3A_25, %dma_start3A_153] : memref<10000x128xf32, #tpu.memory_space<vmem_shared>> -> memref<80x128xf32, #tpu.memory_space<vmem_shared>>
      %dma_start3A_155 = arith.constant 0 : i32
      %dma_start3A_156 = tpu.memref_slice %arg10[%add3A_25, %dma_start3A_155] : memref<10000x128xf32, #tpu.memory_space<vmem_shared>> -> memref<80x128xf32, #tpu.memory_space<vmem_shared>>
      tpu.enqueue_dma source(%arg7 : memref<80x128xf32, #tpu.memory_space<vmem>>) target(%dma_start3A_156 : memref<80x128xf32, #tpu.memory_space<vmem_shared>>) target_semaphore(%run_scoped3A : memref<!tpu.dma_semaphore, #tpu.memory_space<semaphore_mem>>)
      %dma_wait3A_157 = arith.constant 0 : i32
      %dma_wait3A_158 = tpu.memref_slice %arg10[%add3A_25, %dma_wait3A_157] : memref<10000x128xf32, #tpu.memory_space<vmem_shared>> -> memref<80x128xf32, #tpu.memory_space<vmem_shared>>
      %dma_wait3A_159 = arith.constant 0 : i32
      %dma_wait3A_160 = tpu.memref_slice %arg10[%add3A_25, %dma_wait3A_159] : memref<10000x128xf32, #tpu.memory_space<vmem_shared>> -> memref<80x128xf32, #tpu.memory_space<vmem_shared>>
      tpu.wait_dma2 semaphore(%run_scoped3A : memref<!tpu.dma_semaphore, #tpu.memory_space<semaphore_mem>>) src(%arg7 : memref<80x128xf32, #tpu.memory_space<vmem>>) dst(%dma_wait3A_160 : memref<80x128xf32, #tpu.memory_space<vmem_shared>>)
      tpu.yield
    }) : () -> ()
    %add3A_26 = arith.constant 160 : i32
    %add3A_27 = arith.addi %mul3A_2, %add3A_26 : i32
    "tpu.region"() ({
      %run_scoped3A = tpu.sem_alloc : memref<!tpu.dma_semaphore, #tpu.memory_space<semaphore_mem>>
      %dma_start3A_153 = arith.constant 0 : i32
      %dma_start3A_154 = tpu.memref_slice %arg10[%add3A_27, %dma_start3A_153] : memref<10000x128xf32, #tpu.memory_space<vmem_shared>> -> memref<80x128xf32, #tpu.memory_space<vmem_shared>>
      %dma_start3A_155 = arith.constant 0 : i32
      %dma_start3A_156 = tpu.memref_slice %arg10[%add3A_27, %dma_start3A_155] : memref<10000x128xf32, #tpu.memory_space<vmem_shared>> -> memref<80x128xf32, #tpu.memory_space<vmem_shared>>
      tpu.enqueue_dma source(%arg7 : memref<80x128xf32, #tpu.memory_space<vmem>>) target(%dma_start3A_156 : memref<80x128xf32, #tpu.memory_space<vmem_shared>>) target_semaphore(%run_scoped3A : memref<!tpu.dma_semaphore, #tpu.memory_space<semaphore_mem>>)
      %dma_wait3A_157 = arith.constant 0 : i32
      %dma_wait3A_158 = tpu.memref_slice %arg10[%add3A_27, %dma_wait3A_157] : memref<10000x128xf32, #tpu.memory_space<vmem_shared>> -> memref<80x128xf32, #tpu.memory_space<vmem_shared>>
      %dma_wait3A_159 = arith.constant 0 : i32
      %dma_wait3A_160 = tpu.memref_slice %arg10[%add3A_27, %dma_wait3A_159] : memref<10000x128xf32, #tpu.memory_space<vmem_shared>> -> memref<80x128xf32, #tpu.memory_space<vmem_shared>>
      tpu.wait_dma2 semaphore(%run_scoped3A : memref<!tpu.dma_semaphore, #tpu.memory_space<semaphore_mem>>) src(%arg7 : memref<80x128xf32, #tpu.memory_space<vmem>>) dst(%dma_wait3A_160 : memref<80x128xf32, #tpu.memory_space<vmem_shared>>)
      tpu.yield
    }) : () -> ()
    %add3A_28 = arith.constant 240 : i32
    %add3A_29 = arith.addi %mul3A_2, %add3A_28 : i32
    "tpu.region"() ({
      %run_scoped3A = tpu.sem_alloc : memref<!tpu.dma_semaphore, #tpu.memory_space<semaphore_mem>>
      %dma_start3A_153 = arith.constant 0 : i32
      %dma_start3A_154 = tpu.memref_slice %arg10[%add3A_29, %dma_start3A_153] : memref<10000x128xf32, #tpu.memory_space<vmem_shared>> -> memref<80x128xf32, #tpu.memory_space<vmem_shared>>
      %dma_start3A_155 = arith.constant 0 : i32
      %dma_start3A_156 = tpu.memref_slice %arg10[%add3A_29, %dma_start3A_155] : memref<10000x128xf32, #tpu.memory_space<vmem_shared>> -> memref<80x128xf32, #tpu.memory_space<vmem_shared>>
      tpu.enqueue_dma source(%arg7 : memref<80x128xf32, #tpu.memory_space<vmem>>) target(%dma_start3A_156 : memref<80x128xf32, #tpu.memory_space<vmem_shared>>) target_semaphore(%run_scoped3A : memref<!tpu.dma_semaphore, #tpu.memory_space<semaphore_mem>>)
      %dma_wait3A_157 = arith.constant 0 : i32
      %dma_wait3A_158 = tpu.memref_slice %arg10[%add3A_29, %dma_wait3A_157] : memref<10000x128xf32, #tpu.memory_space<vmem_shared>> -> memref<80x128xf32, #tpu.memory_space<vmem_shared>>
      %dma_wait3A_159 = arith.constant 0 : i32
      %dma_wait3A_160 = tpu.memref_slice %arg10[%add3A_29, %dma_wait3A_159] : memref<10000x128xf32, #tpu.memory_space<vmem_shared>> -> memref<80x128xf32, #tpu.memory_space<vmem_shared>>
      tpu.wait_dma2 semaphore(%run_scoped3A : memref<!tpu.dma_semaphore, #tpu.memory_space<semaphore_mem>>) src(%arg7 : memref<80x128xf32, #tpu.memory_space<vmem>>) dst(%dma_wait3A_160 : memref<80x128xf32, #tpu.memory_space<vmem_shared>>)
      tpu.yield
    }) : () -> ()
    %add3A_30 = arith.constant 320 : i32
    %add3A_31 = arith.addi %mul3A_2, %add3A_30 : i32
    "tpu.region"() ({
      %run_scoped3A = tpu.sem_alloc : memref<!tpu.dma_semaphore, #tpu.memory_space<semaphore_mem>>
      %dma_start3A_153 = arith.constant 0 : i32
      %dma_start3A_154 = tpu.memref_slice %arg10[%add3A_31, %dma_start3A_153] : memref<10000x128xf32, #tpu.memory_space<vmem_shared>> -> memref<80x128xf32, #tpu.memory_space<vmem_shared>>
      %dma_start3A_155 = arith.constant 0 : i32
      %dma_start3A_156 = tpu.memref_slice %arg10[%add3A_31, %dma_start3A_155] : memref<10000x128xf32, #tpu.memory_space<vmem_shared>> -> memref<80x128xf32, #tpu.memory_space<vmem_shared>>
      tpu.enqueue_dma source(%arg7 : memref<80x128xf32, #tpu.memory_space<vmem>>) target(%dma_start3A_156 : memref<80x128xf32, #tpu.memory_space<vmem_shared>>) target_semaphore(%run_scoped3A : memref<!tpu.dma_semaphore, #tpu.memory_space<semaphore_mem>>)
      %dma_wait3A_157 = arith.constant 0 : i32
      %dma_wait3A_158 = tpu.memref_slice %arg10[%add3A_31, %dma_wait3A_157] : memref<10000x128xf32, #tpu.memory_space<vmem_shared>> -> memref<80x128xf32, #tpu.memory_space<vmem_shared>>
      %dma_wait3A_159 = arith.constant 0 : i32
      %dma_wait3A_160 = tpu.memref_slice %arg10[%add3A_31, %dma_wait3A_159] : memref<10000x128xf32, #tpu.memory_space<vmem_shared>> -> memref<80x128xf32, #tpu.memory_space<vmem_shared>>
      tpu.wait_dma2 semaphore(%run_scoped3A : memref<!tpu.dma_semaphore, #tpu.memory_space<semaphore_mem>>) src(%arg7 : memref<80x128xf32, #tpu.memory_space<vmem>>) dst(%dma_wait3A_160 : memref<80x128xf32, #tpu.memory_space<vmem_shared>>)
      tpu.yield
    }) : () -> ()
    %add3A_32 = arith.constant 400 : i32
    %add3A_33 = arith.addi %mul3A_2, %add3A_32 : i32
    "tpu.region"() ({
      %run_scoped3A = tpu.sem_alloc : memref<!tpu.dma_semaphore, #tpu.memory_space<semaphore_mem>>
      %dma_start3A_153 = arith.constant 0 : i32
      %dma_start3A_154 = tpu.memref_slice %arg10[%add3A_33, %dma_start3A_153] : memref<10000x128xf32, #tpu.memory_space<vmem_shared>> -> memref<80x128xf32, #tpu.memory_space<vmem_shared>>
      %dma_start3A_155 = arith.constant 0 : i32
      %dma_start3A_156 = tpu.memref_slice %arg10[%add3A_33, %dma_start3A_155] : memref<10000x128xf32, #tpu.memory_space<vmem_shared>> -> memref<80x128xf32, #tpu.memory_space<vmem_shared>>
      tpu.enqueue_dma source(%arg7 : memref<80x128xf32, #tpu.memory_space<vmem>>) target(%dma_start3A_156 : memref<80x128xf32, #tpu.memory_space<vmem_shared>>) target_semaphore(%run_scoped3A : memref<!tpu.dma_semaphore, #tpu.memory_space<semaphore_mem>>)
      %dma_wait3A_157 = arith.constant 0 : i32
      %dma_wait3A_158 = tpu.memref_slice %arg10[%add3A_33, %dma_wait3A_157] : memref<10000x128xf32, #tpu.memory_space<vmem_shared>> -> memref<80x128xf32, #tpu.memory_space<vmem_shared>>
      %dma_wait3A_159 = arith.constant 0 : i32
      %dma_wait3A_160 = tpu.memref_slice %arg10[%add3A_33, %dma_wait3A_159] : memref<10000x128xf32, #tpu.memory_space<vmem_shared>> -> memref<80x128xf32, #tpu.memory_space<vmem_shared>>
      tpu.wait_dma2 semaphore(%run_scoped3A : memref<!tpu.dma_semaphore, #tpu.memory_space<semaphore_mem>>) src(%arg7 : memref<80x128xf32, #tpu.memory_space<vmem>>) dst(%dma_wait3A_160 : memref<80x128xf32, #tpu.memory_space<vmem_shared>>)
      tpu.yield
    }) : () -> ()
    %add3A_34 = arith.constant 480 : i32
    %add3A_35 = arith.addi %mul3A_2, %add3A_34 : i32
    "tpu.region"() ({
      %run_scoped3A = tpu.sem_alloc : memref<!tpu.dma_semaphore, #tpu.memory_space<semaphore_mem>>
      %dma_start3A_153 = arith.constant 0 : i32
      %dma_start3A_154 = tpu.memref_slice %arg10[%add3A_35, %dma_start3A_153] : memref<10000x128xf32, #tpu.memory_space<vmem_shared>> -> memref<80x128xf32, #tpu.memory_space<vmem_shared>>
      %dma_start3A_155 = arith.constant 0 : i32
      %dma_start3A_156 = tpu.memref_slice %arg10[%add3A_35, %dma_start3A_155] : memref<10000x128xf32, #tpu.memory_space<vmem_shared>> -> memref<80x128xf32, #tpu.memory_space<vmem_shared>>
      tpu.enqueue_dma source(%arg7 : memref<80x128xf32, #tpu.memory_space<vmem>>) target(%dma_start3A_156 : memref<80x128xf32, #tpu.memory_space<vmem_shared>>) target_semaphore(%run_scoped3A : memref<!tpu.dma_semaphore, #tpu.memory_space<semaphore_mem>>)
      %dma_wait3A_157 = arith.constant 0 : i32
      %dma_wait3A_158 = tpu.memref_slice %arg10[%add3A_35, %dma_wait3A_157] : memref<10000x128xf32, #tpu.memory_space<vmem_shared>> -> memref<80x128xf32, #tpu.memory_space<vmem_shared>>
      %dma_wait3A_159 = arith.constant 0 : i32
      %dma_wait3A_160 = tpu.memref_slice %arg10[%add3A_35, %dma_wait3A_159] : memref<10000x128xf32, #tpu.memory_space<vmem_shared>> -> memref<80x128xf32, #tpu.memory_space<vmem_shared>>
      tpu.wait_dma2 semaphore(%run_scoped3A : memref<!tpu.dma_semaphore, #tpu.memory_space<semaphore_mem>>) src(%arg7 : memref<80x128xf32, #tpu.memory_space<vmem>>) dst(%dma_wait3A_160 : memref<80x128xf32, #tpu.memory_space<vmem_shared>>)
      tpu.yield
    }) : () -> ()
    %add3A_36 = arith.constant 560 : i32
    %add3A_37 = arith.addi %mul3A_2, %add3A_36 : i32
    "tpu.region"() ({
      %run_scoped3A = tpu.sem_alloc : memref<!tpu.dma_semaphore, #tpu.memory_space<semaphore_mem>>
      %dma_start3A_153 = arith.constant 0 : i32
      %dma_start3A_154 = arith.constant 0 : i32
      %dma_start3A_155 = tpu.memref_slice %arg7[%dma_start3A_153, %dma_start3A_154] : memref<80x128xf32, #tpu.memory_space<vmem>> -> memref<64x128xf32, #tpu.memory_space<vmem>>
      %dma_start3A_156 = arith.constant 0 : i32
      %dma_start3A_157 = tpu.memref_slice %arg10[%add3A_37, %dma_start3A_156] : memref<10000x128xf32, #tpu.memory_space<vmem_shared>> -> memref<64x128xf32, #tpu.memory_space<vmem_shared>>
      %dma_start3A_158 = arith.constant 0 : i32
      %dma_start3A_159 = tpu.memref_slice %arg10[%add3A_37, %dma_start3A_158] : memref<10000x128xf32, #tpu.memory_space<vmem_shared>> -> memref<64x128xf32, #tpu.memory_space<vmem_shared>>
      %dma_start3A_160 = arith.constant 0 : i32
      %dma_start3A_161 = arith.constant 0 : i32
      %dma_start3A_162 = tpu.memref_slice %arg7[%dma_start3A_160, %dma_start3A_161] : memref<80x128xf32, #tpu.memory_space<vmem>> -> memref<64x128xf32, #tpu.memory_space<vmem>>
      tpu.enqueue_dma source(%dma_start3A_162 : memref<64x128xf32, #tpu.memory_space<vmem>>) target(%dma_start3A_159 : memref<64x128xf32, #tpu.memory_space<vmem_shared>>) target_semaphore(%run_scoped3A : memref<!tpu.dma_semaphore, #tpu.memory_space<semaphore_mem>>)
      %dma_wait3A_163 = arith.constant 0 : i32
      %dma_wait3A_164 = arith.constant 0 : i32
      %dma_wait3A_165 = tpu.memref_slice %arg7[%dma_wait3A_163, %dma_wait3A_164] : memref<80x128xf32, #tpu.memory_space<vmem>> -> memref<64x128xf32, #tpu.memory_space<vmem>>
      %dma_wait3A_166 = arith.constant 0 : i32
      %dma_wait3A_167 = tpu.memref_slice %arg10[%add3A_37, %dma_wait3A_166] : memref<10000x128xf32, #tpu.memory_space<vmem_shared>> -> memref<64x128xf32, #tpu.memory_space<vmem_shared>>
      %dma_wait3A_168 = arith.constant 0 : i32
      %dma_wait3A_169 = tpu.memref_slice %arg10[%add3A_37, %dma_wait3A_168] : memref<10000x128xf32, #tpu.memory_space<vmem_shared>> -> memref<64x128xf32, #tpu.memory_space<vmem_shared>>
      %dma_wait3A_170 = arith.constant 0 : i32
      %dma_wait3A_171 = arith.constant 0 : i32
      %dma_wait3A_172 = tpu.memref_slice %arg7[%dma_wait3A_170, %dma_wait3A_171] : memref<80x128xf32, #tpu.memory_space<vmem>> -> memref<64x128xf32, #tpu.memory_space<vmem>>
      tpu.wait_dma2 semaphore(%run_scoped3A : memref<!tpu.dma_semaphore, #tpu.memory_space<semaphore_mem>>) src(%dma_wait3A_172 : memref<64x128xf32, #tpu.memory_space<vmem>>) dst(%dma_wait3A_169 : memref<64x128xf32, #tpu.memory_space<vmem_shared>>)
      tpu.yield
    }) : () -> ()
    %eq3A = arith.constant 0 : i32
    %eq3A_38 = arith.cmpi eq, %arg1, %eq3A : i32
    %convert_element_type3A = arith.extui %eq3A_38 : i1 to i32
    %cond3A = arith.constant 0 : i32
    %cond3A_39 = arith.cmpi ne, %convert_element_type3A, %cond3A : i32
    scf.if %cond3A_39 {
      "tpu.region"() ({
        %run_scoped3A = tpu.sem_alloc : memref<!tpu.dma_semaphore, #tpu.memory_space<semaphore_mem>>
        %dma_start3A_153 = arith.constant 0 : i32
        %dma_start3A_154 = arith.constant 0 : i32
        %dma_start3A_155 = tpu.memref_slice %arg7[%dma_start3A_153, %dma_start3A_154] : memref<80x128xf32, #tpu.memory_space<vmem>> -> memref<16x128xf32, #tpu.memory_space<vmem>>
        %dma_start3A_156 = arith.constant 9984 : i32
        %dma_start3A_157 = arith.constant 0 : i32
        %dma_start3A_158 = tpu.memref_slice %arg10[%dma_start3A_156, %dma_start3A_157] : memref<10000x128xf32, #tpu.memory_space<vmem_shared>> -> memref<16x128xf32, #tpu.memory_space<vmem_shared>>
        %dma_start3A_159 = arith.constant 9984 : i32
        %dma_start3A_160 = arith.constant 0 : i32
        %dma_start3A_161 = tpu.memref_slice %arg10[%dma_start3A_159, %dma_start3A_160] : memref<10000x128xf32, #tpu.memory_space<vmem_shared>> -> memref<16x128xf32, #tpu.memory_space<vmem_shared>>
        %dma_start3A_162 = arith.constant 0 : i32
        %dma_start3A_163 = arith.constant 0 : i32
        %dma_start3A_164 = tpu.memref_slice %arg7[%dma_start3A_162, %dma_start3A_163] : memref<80x128xf32, #tpu.memory_space<vmem>> -> memref<16x128xf32, #tpu.memory_space<vmem>>
        tpu.enqueue_dma source(%dma_start3A_164 : memref<16x128xf32, #tpu.memory_space<vmem>>) target(%dma_start3A_161 : memref<16x128xf32, #tpu.memory_space<vmem_shared>>) target_semaphore(%run_scoped3A : memref<!tpu.dma_semaphore, #tpu.memory_space<semaphore_mem>>)
        %dma_wait3A_165 = arith.constant 0 : i32
        %dma_wait3A_166 = arith.constant 0 : i32
        %dma_wait3A_167 = tpu.memref_slice %arg7[%dma_wait3A_165, %dma_wait3A_166] : memref<80x128xf32, #tpu.memory_space<vmem>> -> memref<16x128xf32, #tpu.memory_space<vmem>>
        %dma_wait3A_168 = arith.constant 9984 : i32
        %dma_wait3A_169 = arith.constant 0 : i32
        %dma_wait3A_170 = tpu.memref_slice %arg10[%dma_wait3A_168, %dma_wait3A_169] : memref<10000x128xf32, #tpu.memory_space<vmem_shared>> -> memref<16x128xf32, #tpu.memory_space<vmem_shared>>
        %dma_wait3A_171 = arith.constant 9984 : i32
        %dma_wait3A_172 = arith.constant 0 : i32
        %dma_wait3A_173 = tpu.memref_slice %arg10[%dma_wait3A_171, %dma_wait3A_172] : memref<10000x128xf32, #tpu.memory_space<vmem_shared>> -> memref<16x128xf32, #tpu.memory_space<vmem_shared>>
        %dma_wait3A_174 = arith.constant 0 : i32
        %dma_wait3A_175 = arith.constant 0 : i32
        %dma_wait3A_176 = tpu.memref_slice %arg7[%dma_wait3A_174, %dma_wait3A_175] : memref<80x128xf32, #tpu.memory_space<vmem>> -> memref<16x128xf32, #tpu.memory_space<vmem>>
        tpu.wait_dma2 semaphore(%run_scoped3A : memref<!tpu.dma_semaphore, #tpu.memory_space<semaphore_mem>>) src(%dma_wait3A_176 : memref<16x128xf32, #tpu.memory_space<vmem>>) dst(%dma_wait3A_173 : memref<16x128xf32, #tpu.memory_space<vmem_shared>>)
        tpu.yield
      }) : () -> ()
    } else {
    }
    %barrier3A = arith.constant 0 : index
    tpu.barrier barrier_id(%barrier3A)
    %dma_start3A_40 = arith.constant 0 : i32
    %dma_start3A_41 = tpu.memref_slice %arg5[%dma_start3A_40] : memref<10000xi32, #tpu.memory_space<vmem>> -> memref<80xi32, #tpu.memory_space<vmem>>
    %dma_start3A_42 = arith.constant 0 : i32
    %dma_start3A_43 = arith.constant 0 : i32
    %dma_start3A_44 = tpu.memref_slice %arg2[%dma_start3A_42, %dma_start3A_43] : memref<10000x128xf32, #tpu.memory_space<hbm>> -> memref<10000x128xf32, #tpu.memory_space<hbm>>
    tpu.enqueue_indirect_dma source(%dma_start3A_44 : memref<10000x128xf32, #tpu.memory_space<hbm>>) target(%arg7 : memref<80x128xf32, #tpu.memory_space<vmem>>) offsets(%dma_start3A_41 : memref<80xi32, #tpu.memory_space<vmem>>) semaphore(%arg11 : memref<!tpu.dma_semaphore, #tpu.memory_space<semaphore_mem>>)
    %dma_start3A_45 = arith.constant 80 : i32
    %dma_start3A_46 = tpu.memref_slice %arg5[%dma_start3A_45] : memref<10000xi32, #tpu.memory_space<vmem>> -> memref<80xi32, #tpu.memory_space<vmem>>
    %dma_start3A_47 = arith.constant 0 : i32
    %dma_start3A_48 = arith.constant 0 : i32
    %dma_start3A_49 = tpu.memref_slice %arg2[%dma_start3A_47, %dma_start3A_48] : memref<10000x128xf32, #tpu.memory_space<hbm>> -> memref<10000x128xf32, #tpu.memory_space<hbm>>
    tpu.enqueue_indirect_dma source(%dma_start3A_49 : memref<10000x128xf32, #tpu.memory_space<hbm>>) target(%arg8 : memref<80x128xf32, #tpu.memory_space<vmem>>) offsets(%dma_start3A_46 : memref<80xi32, #tpu.memory_space<vmem>>) semaphore(%arg12 : memref<!tpu.dma_semaphore, #tpu.memory_space<semaphore_mem>>)
    %dma_wait3A_50 = arith.constant 0 : i32
    %dma_wait3A_51 = tpu.memref_slice %arg5[%dma_wait3A_50] : memref<10000xi32, #tpu.memory_space<vmem>> -> memref<80xi32, #tpu.memory_space<vmem>>
    %dma_wait3A_52 = arith.constant 0 : i32
    %dma_wait3A_53 = arith.constant 0 : i32
    %dma_wait3A_54 = tpu.memref_slice %arg2[%dma_wait3A_52, %dma_wait3A_53] : memref<10000x128xf32, #tpu.memory_space<hbm>> -> memref<10000x128xf32, #tpu.memory_space<hbm>>
    tpu.wait_indirect_dma semaphore(%arg11 : memref<!tpu.dma_semaphore, #tpu.memory_space<semaphore_mem>>) src(%dma_wait3A_54 : memref<10000x128xf32, #tpu.memory_space<hbm>>) dst(%arg7 : memref<80x128xf32, #tpu.memory_space<vmem>>)
    %dma_start3A_55 = arith.constant 0 : i32
    %dma_start3A_56 = tpu.memref_slice %arg6[%dma_start3A_55] : memref<10000xi32, #tpu.memory_space<vmem>> -> memref<80xi32, #tpu.memory_space<vmem>>
    %dma_start3A_57 = arith.constant 0 : i32
    %dma_start3A_58 = arith.constant 0 : i32
    %dma_start3A_59 = tpu.memref_slice %arg10[%dma_start3A_57, %dma_start3A_58] : memref<10000x128xf32, #tpu.memory_space<vmem_shared>> -> memref<10000x128xf32, #tpu.memory_space<vmem_shared>>
    tpu.enqueue_indirect_dma source(%arg7 : memref<80x128xf32, #tpu.memory_space<vmem>>) target(%dma_start3A_59 : memref<10000x128xf32, #tpu.memory_space<vmem_shared>>) offsets(%dma_start3A_56 : memref<80xi32, #tpu.memory_space<vmem>>) semaphore(%arg14 : memref<!tpu.dma_semaphore, #tpu.memory_space<semaphore_mem>>) {add = true}
    %dma_start3A_60 = arith.constant 160 : i32
    %dma_start3A_61 = tpu.memref_slice %arg5[%dma_start3A_60] : memref<10000xi32, #tpu.memory_space<vmem>> -> memref<80xi32, #tpu.memory_space<vmem>>
    %dma_start3A_62 = arith.constant 0 : i32
    %dma_start3A_63 = arith.constant 0 : i32
    %dma_start3A_64 = tpu.memref_slice %arg2[%dma_start3A_62, %dma_start3A_63] : memref<10000x128xf32, #tpu.memory_space<hbm>> -> memref<10000x128xf32, #tpu.memory_space<hbm>>
    tpu.enqueue_indirect_dma source(%dma_start3A_64 : memref<10000x128xf32, #tpu.memory_space<hbm>>) target(%arg9 : memref<80x128xf32, #tpu.memory_space<vmem>>) offsets(%dma_start3A_61 : memref<80xi32, #tpu.memory_space<vmem>>) semaphore(%arg13 : memref<!tpu.dma_semaphore, #tpu.memory_space<semaphore_mem>>)
    %dma_wait3A_65 = arith.constant 80 : i32
    %dma_wait3A_66 = tpu.memref_slice %arg5[%dma_wait3A_65] : memref<10000xi32, #tpu.memory_space<vmem>> -> memref<80xi32, #tpu.memory_space<vmem>>
    %dma_wait3A_67 = arith.constant 0 : i32
    %dma_wait3A_68 = arith.constant 0 : i32
    %dma_wait3A_69 = tpu.memref_slice %arg2[%dma_wait3A_67, %dma_wait3A_68] : memref<10000x128xf32, #tpu.memory_space<hbm>> -> memref<10000x128xf32, #tpu.memory_space<hbm>>
    tpu.wait_indirect_dma semaphore(%arg12 : memref<!tpu.dma_semaphore, #tpu.memory_space<semaphore_mem>>) src(%dma_wait3A_69 : memref<10000x128xf32, #tpu.memory_space<hbm>>) dst(%arg8 : memref<80x128xf32, #tpu.memory_space<vmem>>)
    %dma_start3A_70 = arith.constant 80 : i32
    %dma_start3A_71 = tpu.memref_slice %arg6[%dma_start3A_70] : memref<10000xi32, #tpu.memory_space<vmem>> -> memref<80xi32, #tpu.memory_space<vmem>>
    %dma_start3A_72 = arith.constant 0 : i32
    %dma_start3A_73 = arith.constant 0 : i32
    %dma_start3A_74 = tpu.memref_slice %arg10[%dma_start3A_72, %dma_start3A_73] : memref<10000x128xf32, #tpu.memory_space<vmem_shared>> -> memref<10000x128xf32, #tpu.memory_space<vmem_shared>>
    tpu.enqueue_indirect_dma source(%arg8 : memref<80x128xf32, #tpu.memory_space<vmem>>) target(%dma_start3A_74 : memref<10000x128xf32, #tpu.memory_space<vmem_shared>>) offsets(%dma_start3A_71 : memref<80xi32, #tpu.memory_space<vmem>>) semaphore(%arg15 : memref<!tpu.dma_semaphore, #tpu.memory_space<semaphore_mem>>) {add = true}
    %dma_wait3A_75 = arith.constant 0 : i32
    %dma_wait3A_76 = tpu.memref_slice %arg6[%dma_wait3A_75] : memref<10000xi32, #tpu.memory_space<vmem>> -> memref<80xi32, #tpu.memory_space<vmem>>
    %dma_wait3A_77 = arith.constant 0 : i32
    %dma_wait3A_78 = arith.constant 0 : i32
    %dma_wait3A_79 = tpu.memref_slice %arg10[%dma_wait3A_77, %dma_wait3A_78] : memref<10000x128xf32, #tpu.memory_space<vmem_shared>> -> memref<10000x128xf32, #tpu.memory_space<vmem_shared>>
    tpu.wait_indirect_dma semaphore(%arg14 : memref<!tpu.dma_semaphore, #tpu.memory_space<semaphore_mem>>) src(%arg7 : memref<80x128xf32, #tpu.memory_space<vmem>>) dst(%dma_wait3A_79 : memref<10000x128xf32, #tpu.memory_space<vmem_shared>>)
    %dma_start3A_80 = arith.constant 240 : i32
    %dma_start3A_81 = tpu.memref_slice %arg5[%dma_start3A_80] : memref<10000xi32, #tpu.memory_space<vmem>> -> memref<80xi32, #tpu.memory_space<vmem>>
    %dma_start3A_82 = arith.constant 0 : i32
    %dma_start3A_83 = arith.constant 0 : i32
    %dma_start3A_84 = tpu.memref_slice %arg2[%dma_start3A_82, %dma_start3A_83] : memref<10000x128xf32, #tpu.memory_space<hbm>> -> memref<10000x128xf32, #tpu.memory_space<hbm>>
    tpu.enqueue_indirect_dma source(%dma_start3A_84 : memref<10000x128xf32, #tpu.memory_space<hbm>>) target(%arg7 : memref<80x128xf32, #tpu.memory_space<vmem>>) offsets(%dma_start3A_81 : memref<80xi32, #tpu.memory_space<vmem>>) semaphore(%arg11 : memref<!tpu.dma_semaphore, #tpu.memory_space<semaphore_mem>>)
    %scan3A_85 = arith.constant 0 : i32
    %scan3A_86 = arith.constant 0 : i32
    %scan3A_87 = arith.constant 40 : i32
    %scan3A_88 = arith.addi %scan3A_86, %scan3A_87 : i32
    %scan3A_89 = arith.constant 1 : i32
    %scan3A_90 = scf.for %scan3A_153 = %scan3A_86 to %scan3A_88 step %scan3A_89 iter_args(%scan3A_154 = %scan3A_85) -> (i32)  : i32 {
      %mul3A_155 = arith.constant 3 : i32
      %mul3A_156 = arith.muli %mul3A_155, %scan3A_153 : i32
      %add3A_157 = arith.constant 2 : i32
      %add3A_158 = arith.addi %mul3A_156, %add3A_157 : i32
      %mul3A_159 = arith.constant 80 : i32
      %mul3A_160 = arith.muli %add3A_158, %mul3A_159 : i32
      %dma_wait3A_161 = tpu.memref_slice %arg5[%mul3A_160] : memref<10000xi32, #tpu.memory_space<vmem>> -> memref<80xi32, #tpu.memory_space<vmem>>
      %dma_wait3A_162 = arith.constant 0 : i32
      %dma_wait3A_163 = arith.constant 0 : i32
      %dma_wait3A_164 = tpu.memref_slice %arg2[%dma_wait3A_162, %dma_wait3A_163] : memref<10000x128xf32, #tpu.memory_space<hbm>> -> memref<10000x128xf32, #tpu.memory_space<hbm>>
      tpu.wait_indirect_dma semaphore(%arg13 : memref<!tpu.dma_semaphore, #tpu.memory_space<semaphore_mem>>) src(%dma_wait3A_164 : memref<10000x128xf32, #tpu.memory_space<hbm>>) dst(%arg9 : memref<80x128xf32, #tpu.memory_space<vmem>>)
      %mul3A_165 = arith.constant 80 : i32
      %mul3A_166 = arith.muli %add3A_158, %mul3A_165 : i32
      %dma_start3A_167 = tpu.memref_slice %arg6[%mul3A_166] : memref<10000xi32, #tpu.memory_space<vmem>> -> memref<80xi32, #tpu.memory_space<vmem>>
      %dma_start3A_168 = arith.constant 0 : i32
      %dma_start3A_169 = arith.constant 0 : i32
      %dma_start3A_170 = tpu.memref_slice %arg10[%dma_start3A_168, %dma_start3A_169] : memref<10000x128xf32, #tpu.memory_space<vmem_shared>> -> memref<10000x128xf32, #tpu.memory_space<vmem_shared>>
      tpu.enqueue_indirect_dma source(%arg9 : memref<80x128xf32, #tpu.memory_space<vmem>>) target(%dma_start3A_170 : memref<10000x128xf32, #tpu.memory_space<vmem_shared>>) offsets(%dma_start3A_167 : memref<80xi32, #tpu.memory_space<vmem>>) semaphore(%arg16 : memref<!tpu.dma_semaphore, #tpu.memory_space<semaphore_mem>>) {add = true}
      %sub3A = arith.constant 1 : i32
      %sub3A_171 = arith.subi %add3A_158, %sub3A : i32
      %mul3A_172 = arith.constant 80 : i32
      %mul3A_173 = arith.muli %sub3A_171, %mul3A_172 : i32
      %dma_wait3A_174 = tpu.memref_slice %arg6[%mul3A_173] : memref<10000xi32, #tpu.memory_space<vmem>> -> memref<80xi32, #tpu.memory_space<vmem>>
      %dma_wait3A_175 = arith.constant 0 : i32
      %dma_wait3A_176 = arith.constant 0 : i32
      %dma_wait3A_177 = tpu.memref_slice %arg10[%dma_wait3A_175, %dma_wait3A_176] : memref<10000x128xf32, #tpu.memory_space<vmem_shared>> -> memref<10000x128xf32, #tpu.memory_space<vmem_shared>>
      tpu.wait_indirect_dma semaphore(%arg15 : memref<!tpu.dma_semaphore, #tpu.memory_space<semaphore_mem>>) src(%arg8 : memref<80x128xf32, #tpu.memory_space<vmem>>) dst(%dma_wait3A_177 : memref<10000x128xf32, #tpu.memory_space<vmem_shared>>)
      %add3A_178 = arith.constant 2 : i32
      %add3A_179 = arith.addi %add3A_158, %add3A_178 : i32
      %mul3A_180 = arith.constant 80 : i32
      %mul3A_181 = arith.muli %add3A_179, %mul3A_180 : i32
      %dma_start3A_182 = tpu.memref_slice %arg5[%mul3A_181] : memref<10000xi32, #tpu.memory_space<vmem>> -> memref<80xi32, #tpu.memory_space<vmem>>
      %dma_start3A_183 = arith.constant 0 : i32
      %dma_start3A_184 = arith.constant 0 : i32
      %dma_start3A_185 = tpu.memref_slice %arg2[%dma_start3A_183, %dma_start3A_184] : memref<10000x128xf32, #tpu.memory_space<hbm>> -> memref<10000x128xf32, #tpu.memory_space<hbm>>
      tpu.enqueue_indirect_dma source(%dma_start3A_185 : memref<10000x128xf32, #tpu.memory_space<hbm>>) target(%arg8 : memref<80x128xf32, #tpu.memory_space<vmem>>) offsets(%dma_start3A_182 : memref<80xi32, #tpu.memory_space<vmem>>) semaphore(%arg12 : memref<!tpu.dma_semaphore, #tpu.memory_space<semaphore_mem>>)
      %add3A_186 = arith.constant 1 : i32
      %add3A_187 = arith.addi %add3A_158, %add3A_186 : i32
      %mul3A_188 = arith.constant 80 : i32
      %mul3A_189 = arith.muli %add3A_187, %mul3A_188 : i32
      %dma_wait3A_190 = tpu.memref_slice %arg5[%mul3A_189] : memref<10000xi32, #tpu.memory_space<vmem>> -> memref<80xi32, #tpu.memory_space<vmem>>
      %dma_wait3A_191 = arith.constant 0 : i32
      %dma_wait3A_192 = arith.constant 0 : i32
      %dma_wait3A_193 = tpu.memref_slice %arg2[%dma_wait3A_191, %dma_wait3A_192] : memref<10000x128xf32, #tpu.memory_space<hbm>> -> memref<10000x128xf32, #tpu.memory_space<hbm>>
      tpu.wait_indirect_dma semaphore(%arg11 : memref<!tpu.dma_semaphore, #tpu.memory_space<semaphore_mem>>) src(%dma_wait3A_193 : memref<10000x128xf32, #tpu.memory_space<hbm>>) dst(%arg7 : memref<80x128xf32, #tpu.memory_space<vmem>>)
      %mul3A_194 = arith.constant 80 : i32
      %mul3A_195 = arith.muli %add3A_187, %mul3A_194 : i32
      %dma_start3A_196 = tpu.memref_slice %arg6[%mul3A_195] : memref<10000xi32, #tpu.memory_space<vmem>> -> memref<80xi32, #tpu.memory_space<vmem>>
      %dma_start3A_197 = arith.constant 0 : i32
      %dma_start3A_198 = arith.constant 0 : i32
      %dma_start3A_199 = tpu.memref_slice %arg10[%dma_start3A_197, %dma_start3A_198] : memref<10000x128xf32, #tpu.memory_space<vmem_shared>> -> memref<10000x128xf32, #tpu.memory_space<vmem_shared>>
      tpu.enqueue_indirect_dma source(%arg7 : memref<80x128xf32, #tpu.memory_space<vmem>>) target(%dma_start3A_199 : memref<10000x128xf32, #tpu.memory_space<vmem_shared>>) offsets(%dma_start3A_196 : memref<80xi32, #tpu.memory_space<vmem>>) semaphore(%arg14 : memref<!tpu.dma_semaphore, #tpu.memory_space<semaphore_mem>>) {add = true}
      %sub3A_200 = arith.constant 1 : i32
      %sub3A_201 = arith.subi %add3A_187, %sub3A_200 : i32
      %mul3A_202 = arith.constant 80 : i32
      %mul3A_203 = arith.muli %sub3A_201, %mul3A_202 : i32
      %dma_wait3A_204 = tpu.memref_slice %arg6[%mul3A_203] : memref<10000xi32, #tpu.memory_space<vmem>> -> memref<80xi32, #tpu.memory_space<vmem>>
      %dma_wait3A_205 = arith.constant 0 : i32
      %dma_wait3A_206 = arith.constant 0 : i32
      %dma_wait3A_207 = tpu.memref_slice %arg10[%dma_wait3A_205, %dma_wait3A_206] : memref<10000x128xf32, #tpu.memory_space<vmem_shared>> -> memref<10000x128xf32, #tpu.memory_space<vmem_shared>>
      tpu.wait_indirect_dma semaphore(%arg16 : memref<!tpu.dma_semaphore, #tpu.memory_space<semaphore_mem>>) src(%arg9 : memref<80x128xf32, #tpu.memory_space<vmem>>) dst(%dma_wait3A_207 : memref<10000x128xf32, #tpu.memory_space<vmem_shared>>)
      %add3A_208 = arith.constant 2 : i32
      %add3A_209 = arith.addi %add3A_187, %add3A_208 : i32
      %mul3A_210 = arith.constant 80 : i32
      %mul3A_211 = arith.muli %add3A_209, %mul3A_210 : i32
      %dma_start3A_212 = tpu.memref_slice %arg5[%mul3A_211] : memref<10000xi32, #tpu.memory_space<vmem>> -> memref<80xi32, #tpu.memory_space<vmem>>
      %dma_start3A_213 = arith.constant 0 : i32
      %dma_start3A_214 = arith.constant 0 : i32
      %dma_start3A_215 = tpu.memref_slice %arg2[%dma_start3A_213, %dma_start3A_214] : memref<10000x128xf32, #tpu.memory_space<hbm>> -> memref<10000x128xf32, #tpu.memory_space<hbm>>
      tpu.enqueue_indirect_dma source(%dma_start3A_215 : memref<10000x128xf32, #tpu.memory_space<hbm>>) target(%arg9 : memref<80x128xf32, #tpu.memory_space<vmem>>) offsets(%dma_start3A_212 : memref<80xi32, #tpu.memory_space<vmem>>) semaphore(%arg13 : memref<!tpu.dma_semaphore, #tpu.memory_space<semaphore_mem>>)
      %add3A_216 = arith.constant 2 : i32
      %add3A_217 = arith.addi %add3A_158, %add3A_216 : i32
      %mul3A_218 = arith.constant 80 : i32
      %mul3A_219 = arith.muli %add3A_217, %mul3A_218 : i32
      %dma_wait3A_220 = tpu.memref_slice %arg5[%mul3A_219] : memref<10000xi32, #tpu.memory_space<vmem>> -> memref<80xi32, #tpu.memory_space<vmem>>
      %dma_wait3A_221 = arith.constant 0 : i32
      %dma_wait3A_222 = arith.constant 0 : i32
      %dma_wait3A_223 = tpu.memref_slice %arg2[%dma_wait3A_221, %dma_wait3A_222] : memref<10000x128xf32, #tpu.memory_space<hbm>> -> memref<10000x128xf32, #tpu.memory_space<hbm>>
      tpu.wait_indirect_dma semaphore(%arg12 : memref<!tpu.dma_semaphore, #tpu.memory_space<semaphore_mem>>) src(%dma_wait3A_223 : memref<10000x128xf32, #tpu.memory_space<hbm>>) dst(%arg8 : memref<80x128xf32, #tpu.memory_space<vmem>>)
      %mul3A_224 = arith.constant 80 : i32
      %mul3A_225 = arith.muli %add3A_217, %mul3A_224 : i32
      %dma_start3A_226 = tpu.memref_slice %arg6[%mul3A_225] : memref<10000xi32, #tpu.memory_space<vmem>> -> memref<80xi32, #tpu.memory_space<vmem>>
      %dma_start3A_227 = arith.constant 0 : i32
      %dma_start3A_228 = arith.constant 0 : i32
      %dma_start3A_229 = tpu.memref_slice %arg10[%dma_start3A_227, %dma_start3A_228] : memref<10000x128xf32, #tpu.memory_space<vmem_shared>> -> memref<10000x128xf32, #tpu.memory_space<vmem_shared>>
      tpu.enqueue_indirect_dma source(%arg8 : memref<80x128xf32, #tpu.memory_space<vmem>>) target(%dma_start3A_229 : memref<10000x128xf32, #tpu.memory_space<vmem_shared>>) offsets(%dma_start3A_226 : memref<80xi32, #tpu.memory_space<vmem>>) semaphore(%arg15 : memref<!tpu.dma_semaphore, #tpu.memory_space<semaphore_mem>>) {add = true}
      %sub3A_230 = arith.constant 1 : i32
      %sub3A_231 = arith.subi %add3A_217, %sub3A_230 : i32
      %mul3A_232 = arith.constant 80 : i32
      %mul3A_233 = arith.muli %sub3A_231, %mul3A_232 : i32
      %dma_wait3A_234 = tpu.memref_slice %arg6[%mul3A_233] : memref<10000xi32, #tpu.memory_space<vmem>> -> memref<80xi32, #tpu.memory_space<vmem>>
      %dma_wait3A_235 = arith.constant 0 : i32
      %dma_wait3A_236 = arith.constant 0 : i32
      %dma_wait3A_237 = tpu.memref_slice %arg10[%dma_wait3A_235, %dma_wait3A_236] : memref<10000x128xf32, #tpu.memory_space<vmem_shared>> -> memref<10000x128xf32, #tpu.memory_space<vmem_shared>>
      tpu.wait_indirect_dma semaphore(%arg14 : memref<!tpu.dma_semaphore, #tpu.memory_space<semaphore_mem>>) src(%arg7 : memref<80x128xf32, #tpu.memory_space<vmem>>) dst(%dma_wait3A_237 : memref<10000x128xf32, #tpu.memory_space<vmem_shared>>)
      %add3A_238 = arith.constant 2 : i32
      %add3A_239 = arith.addi %add3A_217, %add3A_238 : i32
      %mul3A_240 = arith.constant 80 : i32
      %mul3A_241 = arith.muli %add3A_239, %mul3A_240 : i32
      %dma_start3A_242 = tpu.memref_slice %arg5[%mul3A_241] : memref<10000xi32, #tpu.memory_space<vmem>> -> memref<80xi32, #tpu.memory_space<vmem>>
      %dma_start3A_243 = arith.constant 0 : i32
      %dma_start3A_244 = arith.constant 0 : i32
      %dma_start3A_245 = tpu.memref_slice %arg2[%dma_start3A_243, %dma_start3A_244] : memref<10000x128xf32, #tpu.memory_space<hbm>> -> memref<10000x128xf32, #tpu.memory_space<hbm>>
      tpu.enqueue_indirect_dma source(%dma_start3A_245 : memref<10000x128xf32, #tpu.memory_space<hbm>>) target(%arg7 : memref<80x128xf32, #tpu.memory_space<vmem>>) offsets(%dma_start3A_242 : memref<80xi32, #tpu.memory_space<vmem>>) semaphore(%arg11 : memref<!tpu.dma_semaphore, #tpu.memory_space<semaphore_mem>>)
      %scan3A_246 = arith.constant 0 : i32
      scf.yield %scan3A_246 : i32
    }
    %scan3A_91 = arith.constant 40 : i32
    %dma_wait3A_92 = arith.constant 9760 : i32
    %dma_wait3A_93 = tpu.memref_slice %arg5[%dma_wait3A_92] : memref<10000xi32, #tpu.memory_space<vmem>> -> memref<80xi32, #tpu.memory_space<vmem>>
    %dma_wait3A_94 = arith.constant 0 : i32
    %dma_wait3A_95 = arith.constant 0 : i32
    %dma_wait3A_96 = tpu.memref_slice %arg2[%dma_wait3A_94, %dma_wait3A_95] : memref<10000x128xf32, #tpu.memory_space<hbm>> -> memref<10000x128xf32, #tpu.memory_space<hbm>>
    tpu.wait_indirect_dma semaphore(%arg13 : memref<!tpu.dma_semaphore, #tpu.memory_space<semaphore_mem>>) src(%dma_wait3A_96 : memref<10000x128xf32, #tpu.memory_space<hbm>>) dst(%arg9 : memref<80x128xf32, #tpu.memory_space<vmem>>)
    %dma_start3A_97 = arith.constant 9760 : i32
    %dma_start3A_98 = tpu.memref_slice %arg6[%dma_start3A_97] : memref<10000xi32, #tpu.memory_space<vmem>> -> memref<80xi32, #tpu.memory_space<vmem>>
    %dma_start3A_99 = arith.constant 0 : i32
    %dma_start3A_100 = arith.constant 0 : i32
    %dma_start3A_101 = tpu.memref_slice %arg10[%dma_start3A_99, %dma_start3A_100] : memref<10000x128xf32, #tpu.memory_space<vmem_shared>> -> memref<10000x128xf32, #tpu.memory_space<vmem_shared>>
    tpu.enqueue_indirect_dma source(%arg9 : memref<80x128xf32, #tpu.memory_space<vmem>>) target(%dma_start3A_101 : memref<10000x128xf32, #tpu.memory_space<vmem_shared>>) offsets(%dma_start3A_98 : memref<80xi32, #tpu.memory_space<vmem>>) semaphore(%arg16 : memref<!tpu.dma_semaphore, #tpu.memory_space<semaphore_mem>>) {add = true}
    %dma_wait3A_102 = arith.constant 9680 : i32
    %dma_wait3A_103 = tpu.memref_slice %arg6[%dma_wait3A_102] : memref<10000xi32, #tpu.memory_space<vmem>> -> memref<80xi32, #tpu.memory_space<vmem>>
    %dma_wait3A_104 = arith.constant 0 : i32
    %dma_wait3A_105 = arith.constant 0 : i32
    %dma_wait3A_106 = tpu.memref_slice %arg10[%dma_wait3A_104, %dma_wait3A_105] : memref<10000x128xf32, #tpu.memory_space<vmem_shared>> -> memref<10000x128xf32, #tpu.memory_space<vmem_shared>>
    tpu.wait_indirect_dma semaphore(%arg15 : memref<!tpu.dma_semaphore, #tpu.memory_space<semaphore_mem>>) src(%arg8 : memref<80x128xf32, #tpu.memory_space<vmem>>) dst(%dma_wait3A_106 : memref<10000x128xf32, #tpu.memory_space<vmem_shared>>)
    %dma_start3A_107 = arith.constant 9920 : i32
    %dma_start3A_108 = tpu.memref_slice %arg5[%dma_start3A_107] : memref<10000xi32, #tpu.memory_space<vmem>> -> memref<80xi32, #tpu.memory_space<vmem>>
    %dma_start3A_109 = arith.constant 0 : i32
    %dma_start3A_110 = arith.constant 0 : i32
    %dma_start3A_111 = tpu.memref_slice %arg2[%dma_start3A_109, %dma_start3A_110] : memref<10000x128xf32, #tpu.memory_space<hbm>> -> memref<10000x128xf32, #tpu.memory_space<hbm>>
    tpu.enqueue_indirect_dma source(%dma_start3A_111 : memref<10000x128xf32, #tpu.memory_space<hbm>>) target(%arg8 : memref<80x128xf32, #tpu.memory_space<vmem>>) offsets(%dma_start3A_108 : memref<80xi32, #tpu.memory_space<vmem>>) semaphore(%arg12 : memref<!tpu.dma_semaphore, #tpu.memory_space<semaphore_mem>>)
    %dma_wait3A_112 = arith.constant 9840 : i32
    %dma_wait3A_113 = tpu.memref_slice %arg5[%dma_wait3A_112] : memref<10000xi32, #tpu.memory_space<vmem>> -> memref<80xi32, #tpu.memory_space<vmem>>
    %dma_wait3A_114 = arith.constant 0 : i32
    %dma_wait3A_115 = arith.constant 0 : i32
    %dma_wait3A_116 = tpu.memref_slice %arg2[%dma_wait3A_114, %dma_wait3A_115] : memref<10000x128xf32, #tpu.memory_space<hbm>> -> memref<10000x128xf32, #tpu.memory_space<hbm>>
    tpu.wait_indirect_dma semaphore(%arg11 : memref<!tpu.dma_semaphore, #tpu.memory_space<semaphore_mem>>) src(%dma_wait3A_116 : memref<10000x128xf32, #tpu.memory_space<hbm>>) dst(%arg7 : memref<80x128xf32, #tpu.memory_space<vmem>>)
    %dma_start3A_117 = arith.constant 9840 : i32
    %dma_start3A_118 = tpu.memref_slice %arg6[%dma_start3A_117] : memref<10000xi32, #tpu.memory_space<vmem>> -> memref<80xi32, #tpu.memory_space<vmem>>
    %dma_start3A_119 = arith.constant 0 : i32
    %dma_start3A_120 = arith.constant 0 : i32
    %dma_start3A_121 = tpu.memref_slice %arg10[%dma_start3A_119, %dma_start3A_120] : memref<10000x128xf32, #tpu.memory_space<vmem_shared>> -> memref<10000x128xf32, #tpu.memory_space<vmem_shared>>
    tpu.enqueue_indirect_dma source(%arg7 : memref<80x128xf32, #tpu.memory_space<vmem>>) target(%dma_start3A_121 : memref<10000x128xf32, #tpu.memory_space<vmem_shared>>) offsets(%dma_start3A_118 : memref<80xi32, #tpu.memory_space<vmem>>) semaphore(%arg14 : memref<!tpu.dma_semaphore, #tpu.memory_space<semaphore_mem>>) {add = true}
    %dma_wait3A_122 = arith.constant 9760 : i32
    %dma_wait3A_123 = tpu.memref_slice %arg6[%dma_wait3A_122] : memref<10000xi32, #tpu.memory_space<vmem>> -> memref<80xi32, #tpu.memory_space<vmem>>
    %dma_wait3A_124 = arith.constant 0 : i32
    %dma_wait3A_125 = arith.constant 0 : i32
    %dma_wait3A_126 = tpu.memref_slice %arg10[%dma_wait3A_124, %dma_wait3A_125] : memref<10000x128xf32, #tpu.memory_space<vmem_shared>> -> memref<10000x128xf32, #tpu.memory_space<vmem_shared>>
    tpu.wait_indirect_dma semaphore(%arg16 : memref<!tpu.dma_semaphore, #tpu.memory_space<semaphore_mem>>) src(%arg9 : memref<80x128xf32, #tpu.memory_space<vmem>>) dst(%dma_wait3A_126 : memref<10000x128xf32, #tpu.memory_space<vmem_shared>>)
    %dma_wait3A_127 = arith.constant 9920 : i32
    %dma_wait3A_128 = tpu.memref_slice %arg5[%dma_wait3A_127] : memref<10000xi32, #tpu.memory_space<vmem>> -> memref<80xi32, #tpu.memory_space<vmem>>
    %dma_wait3A_129 = arith.constant 0 : i32
    %dma_wait3A_130 = arith.constant 0 : i32
    %dma_wait3A_131 = tpu.memref_slice %arg2[%dma_wait3A_129, %dma_wait3A_130] : memref<10000x128xf32, #tpu.memory_space<hbm>> -> memref<10000x128xf32, #tpu.memory_space<hbm>>
    tpu.wait_indirect_dma semaphore(%arg12 : memref<!tpu.dma_semaphore, #tpu.memory_space<semaphore_mem>>) src(%dma_wait3A_131 : memref<10000x128xf32, #tpu.memory_space<hbm>>) dst(%arg8 : memref<80x128xf32, #tpu.memory_space<vmem>>)
    %dma_start3A_132 = arith.constant 9920 : i32
    %dma_start3A_133 = tpu.memref_slice %arg6[%dma_start3A_132] : memref<10000xi32, #tpu.memory_space<vmem>> -> memref<80xi32, #tpu.memory_space<vmem>>
    %dma_start3A_134 = arith.constant 0 : i32
    %dma_start3A_135 = arith.constant 0 : i32
    %dma_start3A_136 = tpu.memref_slice %arg10[%dma_start3A_134, %dma_start3A_135] : memref<10000x128xf32, #tpu.memory_space<vmem_shared>> -> memref<10000x128xf32, #tpu.memory_space<vmem_shared>>
    tpu.enqueue_indirect_dma source(%arg8 : memref<80x128xf32, #tpu.memory_space<vmem>>) target(%dma_start3A_136 : memref<10000x128xf32, #tpu.memory_space<vmem_shared>>) offsets(%dma_start3A_133 : memref<80xi32, #tpu.memory_space<vmem>>) semaphore(%arg15 : memref<!tpu.dma_semaphore, #tpu.memory_space<semaphore_mem>>) {add = true}
    %dma_wait3A_137 = arith.constant 9840 : i32
    %dma_wait3A_138 = tpu.memref_slice %arg6[%dma_wait3A_137] : memref<10000xi32, #tpu.memory_space<vmem>> -> memref<80xi32, #tpu.memory_space<vmem>>
    %dma_wait3A_139 = arith.constant 0 : i32
    %dma_wait3A_140 = arith.constant 0 : i32
    %dma_wait3A_141 = tpu.memref_slice %arg10[%dma_wait3A_139, %dma_wait3A_140] : memref<10000x128xf32, #tpu.memory_space<vmem_shared>> -> memref<10000x128xf32, #tpu.memory_space<vmem_shared>>
    tpu.wait_indirect_dma semaphore(%arg14 : memref<!tpu.dma_semaphore, #tpu.memory_space<semaphore_mem>>) src(%arg7 : memref<80x128xf32, #tpu.memory_space<vmem>>) dst(%dma_wait3A_141 : memref<10000x128xf32, #tpu.memory_space<vmem_shared>>)
    %dma_wait3A_142 = arith.constant 9920 : i32
    %dma_wait3A_143 = tpu.memref_slice %arg6[%dma_wait3A_142] : memref<10000xi32, #tpu.memory_space<vmem>> -> memref<80xi32, #tpu.memory_space<vmem>>
    %dma_wait3A_144 = arith.constant 0 : i32
    %dma_wait3A_145 = arith.constant 0 : i32
    %dma_wait3A_146 = tpu.memref_slice %arg10[%dma_wait3A_144, %dma_wait3A_145] : memref<10000x128xf32, #tpu.memory_space<vmem_shared>> -> memref<10000x128xf32, #tpu.memory_space<vmem_shared>>
    tpu.wait_indirect_dma semaphore(%arg15 : memref<!tpu.dma_semaphore, #tpu.memory_space<semaphore_mem>>) src(%arg8 : memref<80x128xf32, #tpu.memory_space<vmem>>) dst(%dma_wait3A_146 : memref<10000x128xf32, #tpu.memory_space<vmem_shared>>)
    %barrier3A_147 = arith.constant 0 : index
    tpu.barrier barrier_id(%barrier3A_147)
    "tpu.region"() ({
      %run_scoped3A = tpu.sem_alloc : memref<!tpu.dma_semaphore, #tpu.memory_space<semaphore_mem>>
      %dma_start3A_153 = arith.constant 0 : i32
      %dma_start3A_154 = tpu.memref_slice %arg4[%arg0, %mul3A_2, %dma_start3A_153] : memref<2x10000x128xf32, #tpu.memory_space<hbm>> -> memref<1x624x128xf32, #tpu.memory_space<hbm>>
      %dma_start3A_155 = tpu.memref_squeeze %dma_start3A_154 : memref<1x624x128xf32, #tpu.memory_space<hbm>> -> memref<624x128xf32, #tpu.memory_space<hbm>>
      %dma_start3A_156 = arith.constant 0 : i32
      %dma_start3A_157 = tpu.memref_slice %arg10[%mul3A_2, %dma_start3A_156] : memref<10000x128xf32, #tpu.memory_space<vmem_shared>> -> memref<624x128xf32, #tpu.memory_space<vmem_shared>>
      tpu.enqueue_dma source(%dma_start3A_157 : memref<624x128xf32, #tpu.memory_space<vmem_shared>>) target(%dma_start3A_155 : memref<624x128xf32, #tpu.memory_space<hbm>>) target_semaphore(%run_scoped3A : memref<!tpu.dma_semaphore, #tpu.memory_space<semaphore_mem>>)
      %dma_wait3A_158 = arith.constant 0 : i32
      %dma_wait3A_159 = tpu.memref_slice %arg4[%arg0, %mul3A_2, %dma_wait3A_158] : memref<2x10000x128xf32, #tpu.memory_space<hbm>> -> memref<1x624x128xf32, #tpu.memory_space<hbm>>
      %dma_wait3A_160 = tpu.memref_squeeze %dma_wait3A_159 : memref<1x624x128xf32, #tpu.memory_space<hbm>> -> memref<624x128xf32, #tpu.memory_space<hbm>>
      %dma_wait3A_161 = arith.constant 0 : i32
      %dma_wait3A_162 = tpu.memref_slice %arg10[%mul3A_2, %dma_wait3A_161] : memref<10000x128xf32, #tpu.memory_space<vmem_shared>> -> memref<624x128xf32, #tpu.memory_space<vmem_shared>>
      tpu.wait_dma2 semaphore(%run_scoped3A : memref<!tpu.dma_semaphore, #tpu.memory_space<semaphore_mem>>) src(%dma_wait3A_162 : memref<624x128xf32, #tpu.memory_space<vmem_shared>>) dst(%dma_wait3A_160 : memref<624x128xf32, #tpu.memory_space<hbm>>)
      tpu.yield
    }) : () -> ()
    %eq3A_148 = arith.constant 0 : i32
    %eq3A_149 = arith.cmpi eq, %arg1, %eq3A_148 : i32
    %convert_element_type3A_150 = arith.extui %eq3A_149 : i1 to i32
    %cond3A_151 = arith.constant 0 : i32
    %cond3A_152 = arith.cmpi ne, %convert_element_type3A_150, %cond3A_151 : i32
    scf.if %cond3A_152 {
      "tpu.region"() ({
        %run_scoped3A = tpu.sem_alloc : memref<!tpu.dma_semaphore, #tpu.memory_space<semaphore_mem>>
        %dma_start3A_153 = arith.constant 9984 : i32
        %dma_start3A_154 = arith.constant 0 : i32
        %dma_start3A_155 = tpu.memref_slice %arg4[%arg0, %dma_start3A_153, %dma_start3A_154] : memref<2x10000x128xf32, #tpu.memory_space<hbm>> -> memref<1x16x128xf32, #tpu.memory_space<hbm>>
        %dma_start3A_156 = tpu.memref_squeeze %dma_start3A_155 : memref<1x16x128xf32, #tpu.memory_space<hbm>> -> memref<16x128xf32, #tpu.memory_space<hbm>>
        %dma_start3A_157 = arith.constant 9984 : i32
        %dma_start3A_158 = arith.constant 0 : i32
        %dma_start3A_159 = tpu.memref_slice %arg10[%dma_start3A_157, %dma_start3A_158] : memref<10000x128xf32, #tpu.memory_space<vmem_shared>> -> memref<16x128xf32, #tpu.memory_space<vmem_shared>>
        tpu.enqueue_dma source(%dma_start3A_159 : memref<16x128xf32, #tpu.memory_space<vmem_shared>>) target(%dma_start3A_156 : memref<16x128xf32, #tpu.memory_space<hbm>>) target_semaphore(%run_scoped3A : memref<!tpu.dma_semaphore, #tpu.memory_space<semaphore_mem>>)
        %dma_wait3A_160 = arith.constant 9984 : i32
        %dma_wait3A_161 = arith.constant 0 : i32
        %dma_wait3A_162 = tpu.memref_slice %arg4[%arg0, %dma_wait3A_160, %dma_wait3A_161] : memref<2x10000x128xf32, #tpu.memory_space<hbm>> -> memref<1x16x128xf32, #tpu.memory_space<hbm>>
        %dma_wait3A_163 = tpu.memref_squeeze %dma_wait3A_162 : memref<1x16x128xf32, #tpu.memory_space<hbm>> -> memref<16x128xf32, #tpu.memory_space<hbm>>
        %dma_wait3A_164 = arith.constant 9984 : i32
        %dma_wait3A_165 = arith.constant 0 : i32
        %dma_wait3A_166 = tpu.memref_slice %arg10[%dma_wait3A_164, %dma_wait3A_165] : memref<10000x128xf32, #tpu.memory_space<vmem_shared>> -> memref<16x128xf32, #tpu.memory_space<vmem_shared>>
        tpu.wait_dma2 semaphore(%run_scoped3A : memref<!tpu.dma_semaphore, #tpu.memory_space<semaphore_mem>>) src(%dma_wait3A_166 : memref<16x128xf32, #tpu.memory_space<vmem_shared>>) dst(%dma_wait3A_163 : memref<16x128xf32, #tpu.memory_space<hbm>>)
        tpu.yield
      }) : () -> ()
    } else {
    }
    return
  }
}

module attributes {stable_mosaic.version = 14 : i64} {
  func.func @_l0_body(%arg0: i32, %arg1: memref<5000x128xf32, #tpu.memory_space<vmem>>, %arg2: memref<2x5000x128xf32, #tpu.memory_space<vmem>>, %arg3: memref<128x128xf32, #tpu.memory_space<vmem>>, %arg4: memref<128x128xf32, #tpu.memory_space<vmem>>, %arg5: memref<1x128xf32, #tpu.memory_space<vmem>>, %arg6: memref<5000x128xf32, #tpu.memory_space<vmem>>) attributes {dimension_semantics = [#tpu.dimension_semantics<arbitrary>], iteration_bounds = array<i64: 2>, scalar_prefetch = 0 : i64, scratch_operands = 0 : i64, tpu.core_type = #tpu.core_type<tc>, window_params = [{transform_indices = @transform_0, window_bounds = array<i64: 5000, 128>}, {transform_indices = @transform_1, window_bounds = array<i64: 2, 5000, 128>}, {pipeline_mode = #tpu.pipeline_mode<synchronous>, transform_indices = @transform_2, window_bounds = array<i64: 128, 128>}, {pipeline_mode = #tpu.pipeline_mode<synchronous>, transform_indices = @transform_3, window_bounds = array<i64: 128, 128>}, {pipeline_mode = #tpu.pipeline_mode<synchronous>, transform_indices = @transform_4, window_bounds = array<i64: 1, 128>}, {transform_indices = @transform_5, window_bounds = array<i64: 5000, 128>}]} {
    %get3A = arith.constant 0 : index
    %get3A_0 = arith.constant 0 : index
    %get3A_1 = vector.load %arg1[%get3A, %get3A_0] : memref<5000x128xf32, #tpu.memory_space<vmem>>, vector<5000x128xf32>
    %get3A_2 = arith.constant 0 : index
    %get3A_3 = arith.constant 0 : index
    %get3A_4 = arith.constant 0 : index
    %get3A_5 = vector.load %arg2[%get3A_2, %get3A_3, %get3A_4] : memref<2x5000x128xf32, #tpu.memory_space<vmem>>, vector<1x5000x128xf32>
    %get3A_6 = vector.shape_cast %get3A_5 : vector<1x5000x128xf32> to vector<5000x128xf32>
    %get3A_7 = arith.constant 1 : index
    %get3A_8 = arith.constant 0 : index
    %get3A_9 = arith.constant 0 : index
    %get3A_10 = vector.load %arg2[%get3A_7, %get3A_8, %get3A_9] : memref<2x5000x128xf32, #tpu.memory_space<vmem>>, vector<1x5000x128xf32>
    %get3A_11 = vector.shape_cast %get3A_10 : vector<1x5000x128xf32> to vector<5000x128xf32>
    %add3A = arith.addf %get3A_6, %get3A_11 : vector<5000x128xf32>
    %get3A_12 = arith.constant 0 : index
    %get3A_13 = arith.constant 0 : index
    %get3A_14 = vector.load %arg3[%get3A_12, %get3A_13] : memref<128x128xf32, #tpu.memory_space<vmem>>, vector<128x128xf32>
    %dot_general3A = arith.constant dense<0.000000e+00> : vector<5000x128xf32>
    %dot_general3A_15 = tpu.matmul %add3A, %get3A_14, %dot_general3A {dimension_numbers = #tpu.dot_dimension_numbers<[1], [0], [0], [1], [0, 0, 1, 1], [], []>, transpose_lhs_hint = false} : vector<5000x128xf32>, vector<128x128xf32>, vector<5000x128xf32> -> vector<5000x128xf32>
    %add3A_16 = arith.addf %get3A_1, %dot_general3A_15 : vector<5000x128xf32>
    %max3A = arith.constant 0.000000e+00 : f32
    %max3A_17 = vector.broadcast %max3A : f32 to vector<5000x128xf32>
    %max3A_18 = arith.maximumf %add3A_16, %max3A_17 : vector<5000x128xf32>
    %get3A_19 = arith.constant 0 : index
    %get3A_20 = arith.constant 0 : index
    %get3A_21 = vector.load %arg4[%get3A_19, %get3A_20] : memref<128x128xf32, #tpu.memory_space<vmem>>, vector<128x128xf32>
    %dot_general3A_22 = arith.constant dense<0.000000e+00> : vector<5000x128xf32>
    %dot_general3A_23 = tpu.matmul %max3A_18, %get3A_21, %dot_general3A_22 {dimension_numbers = #tpu.dot_dimension_numbers<[1], [0], [0], [1], [0, 0, 1, 1], [], []>, transpose_lhs_hint = false} : vector<5000x128xf32>, vector<128x128xf32>, vector<5000x128xf32> -> vector<5000x128xf32>
    %get3A_24 = arith.constant 0 : index
    %get3A_25 = arith.constant 0 : index
    %get3A_26 = vector.load %arg5[%get3A_24, %get3A_25] : memref<1x128xf32, #tpu.memory_space<vmem>>, vector<1x128xf32>
    %add3A_27 = vector.broadcast %get3A_26 : vector<1x128xf32> to vector<5000x128xf32>
    %add3A_28 = arith.addf %dot_general3A_23, %add3A_27 : vector<5000x128xf32>
    %max3A_29 = arith.constant 0.000000e+00 : f32
    %max3A_30 = vector.broadcast %max3A_29 : f32 to vector<5000x128xf32>
    %max3A_31 = arith.maximumf %add3A_28, %max3A_30 : vector<5000x128xf32>
    %swap3A = arith.constant 0 : index
    %swap3A_32 = arith.constant 0 : index
    %swap3A_33 = vector.load %arg6[%swap3A, %swap3A_32] : memref<5000x128xf32, #tpu.memory_space<vmem>>, vector<5000x128xf32>
    tpu.vector_store %arg6[%swap3A, %swap3A_32], %max3A_31 {strides = array<i32>} : memref<5000x128xf32, #tpu.memory_space<vmem>>, vector<5000x128xf32>,
    return
  }
  func.func @transform_0(%arg0: i32) -> (i32, i32) {
    %c0_i32 = arith.constant 0 : i32
    %c0_i32_0 = arith.constant 0 : i32
    return %arg0, %c0_i32 : i32, i32
  }
  func.func @transform_1(%arg0: i32) -> (i32, i32, i32) {
    %c0_i32 = arith.constant 0 : i32
    %c0_i32_0 = arith.constant 0 : i32
    %c0_i32_1 = arith.constant 0 : i32
    return %c0_i32, %arg0, %c0_i32_0 : i32, i32, i32
  }
  func.func @transform_2(%arg0: i32) -> (i32, i32) {
    %c0_i32 = arith.constant 0 : i32
    %c0_i32_0 = arith.constant 0 : i32
    %c0_i32_1 = arith.constant 0 : i32
    return %c0_i32, %c0_i32_0 : i32, i32
  }
  func.func @transform_3(%arg0: i32) -> (i32, i32) {
    %c0_i32 = arith.constant 0 : i32
    %c0_i32_0 = arith.constant 0 : i32
    %c0_i32_1 = arith.constant 0 : i32
    return %c0_i32, %c0_i32_0 : i32, i32
  }
  func.func @transform_4(%arg0: i32) -> (i32, i32) {
    %c0_i32 = arith.constant 0 : i32
    %c0_i32_0 = arith.constant 0 : i32
    %c0_i32_1 = arith.constant 0 : i32
    return %c0_i32, %c0_i32_0 : i32, i32
  }
  func.func @transform_5(%arg0: i32) -> (i32, i32) {
    %c0_i32 = arith.constant 0 : i32
    %c0_i32_0 = arith.constant 0 : i32
    return %arg0, %c0_i32 : i32, i32
  }
}

module attributes {stable_mosaic.version = 14 : i64} {
  func.func @_pre_body(%arg0: i32, %arg1: memref<5000x128xf32, #tpu.memory_space<vmem>>, %arg2: memref<128x128xf32, #tpu.memory_space<vmem>>, %arg3: memref<1x128xf32, #tpu.memory_space<vmem>>, %arg4: memref<5000x128xf32, #tpu.memory_space<vmem>>) attributes {dimension_semantics = [#tpu.dimension_semantics<arbitrary>], iteration_bounds = array<i64: 2>, scalar_prefetch = 0 : i64, scratch_operands = 0 : i64, tpu.core_type = #tpu.core_type<tc>, window_params = [{transform_indices = @transform_0, window_bounds = array<i64: 5000, 128>}, {pipeline_mode = #tpu.pipeline_mode<synchronous>, transform_indices = @transform_1, window_bounds = array<i64: 128, 128>}, {pipeline_mode = #tpu.pipeline_mode<synchronous>, transform_indices = @transform_2, window_bounds = array<i64: 1, 128>}, {transform_indices = @transform_3, window_bounds = array<i64: 5000, 128>}]} {
    %get3A = arith.constant 0 : index
    %get3A_0 = arith.constant 0 : index
    %get3A_1 = vector.load %arg1[%get3A, %get3A_0] : memref<5000x128xf32, #tpu.memory_space<vmem>>, vector<5000x128xf32>
    %get3A_2 = arith.constant 0 : index
    %get3A_3 = arith.constant 0 : index
    %get3A_4 = vector.load %arg2[%get3A_2, %get3A_3] : memref<128x128xf32, #tpu.memory_space<vmem>>, vector<128x128xf32>
    %dot_general3A = arith.constant dense<0.000000e+00> : vector<5000x128xf32>
    %dot_general3A_5 = tpu.matmul %get3A_1, %get3A_4, %dot_general3A {dimension_numbers = #tpu.dot_dimension_numbers<[1], [0], [0], [1], [0, 0, 1, 1], [], []>, transpose_lhs_hint = false} : vector<5000x128xf32>, vector<128x128xf32>, vector<5000x128xf32> -> vector<5000x128xf32>
    %get3A_6 = arith.constant 0 : index
    %get3A_7 = arith.constant 0 : index
    %get3A_8 = vector.load %arg3[%get3A_6, %get3A_7] : memref<1x128xf32, #tpu.memory_space<vmem>>, vector<1x128xf32>
    %add3A = vector.broadcast %get3A_8 : vector<1x128xf32> to vector<5000x128xf32>
    %add3A_9 = arith.addf %dot_general3A_5, %add3A : vector<5000x128xf32>
    %swap3A = arith.constant 0 : index
    %swap3A_10 = arith.constant 0 : index
    %swap3A_11 = vector.load %arg4[%swap3A, %swap3A_10] : memref<5000x128xf32, #tpu.memory_space<vmem>>, vector<5000x128xf32>
    tpu.vector_store %arg4[%swap3A, %swap3A_10], %add3A_9 {strides = array<i32>} : memref<5000x128xf32, #tpu.memory_space<vmem>>, vector<5000x128xf32>,
    return
  }
  func.func @transform_0(%arg0: i32) -> (i32, i32) {
    %c0_i32 = arith.constant 0 : i32
    %c0_i32_0 = arith.constant 0 : i32
    return %arg0, %c0_i32 : i32, i32
  }
  func.func @transform_1(%arg0: i32) -> (i32, i32) {
    %c0_i32 = arith.constant 0 : i32
    %c0_i32_0 = arith.constant 0 : i32
    %c0_i32_1 = arith.constant 0 : i32
    return %c0_i32, %c0_i32_0 : i32, i32
  }
  func.func @transform_2(%arg0: i32) -> (i32, i32) {
    %c0_i32 = arith.constant 0 : i32
    %c0_i32_0 = arith.constant 0 : i32
    %c0_i32_1 = arith.constant 0 : i32
    return %c0_i32, %c0_i32_0 : i32, i32
  }
  func.func @transform_3(%arg0: i32) -> (i32, i32) {
    %c0_i32 = arith.constant 0 : i32
    %c0_i32_0 = arith.constant 0 : i32
    return %arg0, %c0_i32 : i32, i32
  }
}

module attributes {stable_mosaic.version = 14 : i64} {
  func.func @_mid_body(%arg0: i32, %arg1: memref<5000x128xf32, #tpu.memory_space<vmem>>, %arg2: memref<128x128xf32, #tpu.memory_space<vmem>>, %arg3: memref<1x128xf32, #tpu.memory_space<vmem>>, %arg4: memref<128x128xf32, #tpu.memory_space<vmem>>, %arg5: memref<1x128xf32, #tpu.memory_space<vmem>>, %arg6: memref<5000x128xf32, #tpu.memory_space<vmem>>, %arg7: memref<5000x128xf32, #tpu.memory_space<vmem>>) attributes {dimension_semantics = [#tpu.dimension_semantics<arbitrary>], iteration_bounds = array<i64: 2>, scalar_prefetch = 0 : i64, scratch_operands = 0 : i64, tpu.core_type = #tpu.core_type<tc>, window_params = [{transform_indices = @transform_0, window_bounds = array<i64: 5000, 128>}, {pipeline_mode = #tpu.pipeline_mode<synchronous>, transform_indices = @transform_1, window_bounds = array<i64: 128, 128>}, {pipeline_mode = #tpu.pipeline_mode<synchronous>, transform_indices = @transform_2, window_bounds = array<i64: 1, 128>}, {pipeline_mode = #tpu.pipeline_mode<synchronous>, transform_indices = @transform_3, window_bounds = array<i64: 128, 128>}, {pipeline_mode = #tpu.pipeline_mode<synchronous>, transform_indices = @transform_4, window_bounds = array<i64: 1, 128>}, {transform_indices = @transform_5, window_bounds = array<i64: 5000, 128>}, {transform_indices = @transform_6, window_bounds = array<i64: 5000, 128>}]} {
    %get3A = arith.constant 0 : index
    %get3A_0 = arith.constant 0 : index
    %get3A_1 = vector.load %arg1[%get3A, %get3A_0] : memref<5000x128xf32, #tpu.memory_space<vmem>>, vector<5000x128xf32>
    %get3A_2 = arith.constant 0 : index
    %get3A_3 = arith.constant 0 : index
    %get3A_4 = vector.load %arg2[%get3A_2, %get3A_3] : memref<128x128xf32, #tpu.memory_space<vmem>>, vector<128x128xf32>
    %dot_general3A = arith.constant dense<0.000000e+00> : vector<5000x128xf32>
    %dot_general3A_5 = tpu.matmul %get3A_1, %get3A_4, %dot_general3A {dimension_numbers = #tpu.dot_dimension_numbers<[1], [0], [0], [1], [0, 0, 1, 1], [], []>, transpose_lhs_hint = false} : vector<5000x128xf32>, vector<128x128xf32>, vector<5000x128xf32> -> vector<5000x128xf32>
    %get3A_6 = arith.constant 0 : index
    %get3A_7 = arith.constant 0 : index
    %get3A_8 = vector.load %arg3[%get3A_6, %get3A_7] : memref<1x128xf32, #tpu.memory_space<vmem>>, vector<1x128xf32>
    %add3A = vector.broadcast %get3A_8 : vector<1x128xf32> to vector<5000x128xf32>
    %add3A_9 = arith.addf %dot_general3A_5, %add3A : vector<5000x128xf32>
    %swap3A = arith.constant 0 : index
    %swap3A_10 = arith.constant 0 : index
    %swap3A_11 = vector.load %arg6[%swap3A, %swap3A_10] : memref<5000x128xf32, #tpu.memory_space<vmem>>, vector<5000x128xf32>
    tpu.vector_store %arg6[%swap3A, %swap3A_10], %add3A_9 {strides = array<i32>} : memref<5000x128xf32, #tpu.memory_space<vmem>>, vector<5000x128xf32>,
    %get3A_12 = arith.constant 0 : index
    %get3A_13 = arith.constant 0 : index
    %get3A_14 = vector.load %arg4[%get3A_12, %get3A_13] : memref<128x128xf32, #tpu.memory_space<vmem>>, vector<128x128xf32>
    %dot_general3A_15 = arith.constant dense<0.000000e+00> : vector<5000x128xf32>
    %dot_general3A_16 = tpu.matmul %get3A_1, %get3A_14, %dot_general3A_15 {dimension_numbers = #tpu.dot_dimension_numbers<[1], [0], [0], [1], [0, 0, 1, 1], [], []>, transpose_lhs_hint = false} : vector<5000x128xf32>, vector<128x128xf32>, vector<5000x128xf32> -> vector<5000x128xf32>
    %get3A_17 = arith.constant 0 : index
    %get3A_18 = arith.constant 0 : index
    %get3A_19 = vector.load %arg5[%get3A_17, %get3A_18] : memref<1x128xf32, #tpu.memory_space<vmem>>, vector<1x128xf32>
    %add3A_20 = vector.broadcast %get3A_19 : vector<1x128xf32> to vector<5000x128xf32>
    %add3A_21 = arith.addf %dot_general3A_16, %add3A_20 : vector<5000x128xf32>
    %swap3A_22 = arith.constant 0 : index
    %swap3A_23 = arith.constant 0 : index
    %swap3A_24 = vector.load %arg7[%swap3A_22, %swap3A_23] : memref<5000x128xf32, #tpu.memory_space<vmem>>, vector<5000x128xf32>
    tpu.vector_store %arg7[%swap3A_22, %swap3A_23], %add3A_21 {strides = array<i32>} : memref<5000x128xf32, #tpu.memory_space<vmem>>, vector<5000x128xf32>,
    return
  }
  func.func @transform_0(%arg0: i32) -> (i32, i32) {
    %c0_i32 = arith.constant 0 : i32
    %c0_i32_0 = arith.constant 0 : i32
    return %arg0, %c0_i32 : i32, i32
  }
  func.func @transform_1(%arg0: i32) -> (i32, i32) {
    %c0_i32 = arith.constant 0 : i32
    %c0_i32_0 = arith.constant 0 : i32
    %c0_i32_1 = arith.constant 0 : i32
    return %c0_i32, %c0_i32_0 : i32, i32
  }
  func.func @transform_2(%arg0: i32) -> (i32, i32) {
    %c0_i32 = arith.constant 0 : i32
    %c0_i32_0 = arith.constant 0 : i32
    %c0_i32_1 = arith.constant 0 : i32
    return %c0_i32, %c0_i32_0 : i32, i32
  }
  func.func @transform_3(%arg0: i32) -> (i32, i32) {
    %c0_i32 = arith.constant 0 : i32
    %c0_i32_0 = arith.constant 0 : i32
    %c0_i32_1 = arith.constant 0 : i32
    return %c0_i32, %c0_i32_0 : i32, i32
  }
  func.func @transform_4(%arg0: i32) -> (i32, i32) {
    %c0_i32 = arith.constant 0 : i32
    %c0_i32_0 = arith.constant 0 : i32
    %c0_i32_1 = arith.constant 0 : i32
    return %c0_i32, %c0_i32_0 : i32, i32
  }
  func.func @transform_5(%arg0: i32) -> (i32, i32) {
    %c0_i32 = arith.constant 0 : i32
    %c0_i32_0 = arith.constant 0 : i32
    return %arg0, %c0_i32 : i32, i32
  }
  func.func @transform_6(%arg0: i32) -> (i32, i32) {
    %c0_i32 = arith.constant 0 : i32
    %c0_i32_0 = arith.constant 0 : i32
    return %arg0, %c0_i32 : i32, i32
  }
}

module attributes {stable_mosaic.version = 14 : i64} {
  func.func @_l1_body(%arg0: i32, %arg1: memref<5000x128xf32, #tpu.memory_space<vmem>>, %arg2: memref<2x5000x128xf32, #tpu.memory_space<vmem>>, %arg3: memref<128x128xf32, #tpu.memory_space<vmem>>, %arg4: memref<128x128xf32, #tpu.memory_space<vmem>>, %arg5: memref<1x128xf32, #tpu.memory_space<vmem>>, %arg6: memref<128x128xf32, #tpu.memory_space<vmem>>, %arg7: memref<5000x128xf32, #tpu.memory_space<vmem>>, %arg8: memref<5000x128xf32, #tpu.memory_space<vmem>>) attributes {dimension_semantics = [#tpu.dimension_semantics<arbitrary>], iteration_bounds = array<i64: 2>, scalar_prefetch = 0 : i64, scratch_operands = 0 : i64, tpu.core_type = #tpu.core_type<tc>, window_params = [{transform_indices = @transform_0, window_bounds = array<i64: 5000, 128>}, {transform_indices = @transform_1, window_bounds = array<i64: 2, 5000, 128>}, {pipeline_mode = #tpu.pipeline_mode<synchronous>, transform_indices = @transform_2, window_bounds = array<i64: 128, 128>}, {pipeline_mode = #tpu.pipeline_mode<synchronous>, transform_indices = @transform_3, window_bounds = array<i64: 128, 128>}, {pipeline_mode = #tpu.pipeline_mode<synchronous>, transform_indices = @transform_4, window_bounds = array<i64: 1, 128>}, {pipeline_mode = #tpu.pipeline_mode<synchronous>, transform_indices = @transform_5, window_bounds = array<i64: 128, 128>}, {transform_indices = @transform_6, window_bounds = array<i64: 5000, 128>}, {transform_indices = @transform_7, window_bounds = array<i64: 5000, 128>}]} {
    %get3A = arith.constant 0 : index
    %get3A_0 = arith.constant 0 : index
    %get3A_1 = vector.load %arg1[%get3A, %get3A_0] : memref<5000x128xf32, #tpu.memory_space<vmem>>, vector<5000x128xf32>
    %get3A_2 = arith.constant 0 : index
    %get3A_3 = arith.constant 0 : index
    %get3A_4 = arith.constant 0 : index
    %get3A_5 = vector.load %arg2[%get3A_2, %get3A_3, %get3A_4] : memref<2x5000x128xf32, #tpu.memory_space<vmem>>, vector<1x5000x128xf32>
    %get3A_6 = vector.shape_cast %get3A_5 : vector<1x5000x128xf32> to vector<5000x128xf32>
    %get3A_7 = arith.constant 1 : index
    %get3A_8 = arith.constant 0 : index
    %get3A_9 = arith.constant 0 : index
    %get3A_10 = vector.load %arg2[%get3A_7, %get3A_8, %get3A_9] : memref<2x5000x128xf32, #tpu.memory_space<vmem>>, vector<1x5000x128xf32>
    %get3A_11 = vector.shape_cast %get3A_10 : vector<1x5000x128xf32> to vector<5000x128xf32>
    %add3A = arith.addf %get3A_6, %get3A_11 : vector<5000x128xf32>
    %get3A_12 = arith.constant 0 : index
    %get3A_13 = arith.constant 0 : index
    %get3A_14 = vector.load %arg3[%get3A_12, %get3A_13] : memref<128x128xf32, #tpu.memory_space<vmem>>, vector<128x128xf32>
    %dot_general3A = arith.constant dense<0.000000e+00> : vector<5000x128xf32>
    %dot_general3A_15 = tpu.matmul %add3A, %get3A_14, %dot_general3A {dimension_numbers = #tpu.dot_dimension_numbers<[1], [0], [0], [1], [0, 0, 1, 1], [], []>, transpose_lhs_hint = false} : vector<5000x128xf32>, vector<128x128xf32>, vector<5000x128xf32> -> vector<5000x128xf32>
    %add3A_16 = arith.addf %get3A_1, %dot_general3A_15 : vector<5000x128xf32>
    %max3A = arith.constant 0.000000e+00 : f32
    %max3A_17 = vector.broadcast %max3A : f32 to vector<5000x128xf32>
    %max3A_18 = arith.maximumf %add3A_16, %max3A_17 : vector<5000x128xf32>
    %get3A_19 = arith.constant 0 : index
    %get3A_20 = arith.constant 0 : index
    %get3A_21 = vector.load %arg4[%get3A_19, %get3A_20] : memref<128x128xf32, #tpu.memory_space<vmem>>, vector<128x128xf32>
    %dot_general3A_22 = arith.constant dense<0.000000e+00> : vector<5000x128xf32>
    %dot_general3A_23 = tpu.matmul %max3A_18, %get3A_21, %dot_general3A_22 {dimension_numbers = #tpu.dot_dimension_numbers<[1], [0], [0], [1], [0, 0, 1, 1], [], []>, transpose_lhs_hint = false} : vector<5000x128xf32>, vector<128x128xf32>, vector<5000x128xf32> -> vector<5000x128xf32>
    %get3A_24 = arith.constant 0 : index
    %get3A_25 = arith.constant 0 : index
    %get3A_26 = vector.load %arg5[%get3A_24, %get3A_25] : memref<1x128xf32, #tpu.memory_space<vmem>>, vector<1x128xf32>
    %add3A_27 = vector.broadcast %get3A_26 : vector<1x128xf32> to vector<5000x128xf32>
    %add3A_28 = arith.addf %dot_general3A_23, %add3A_27 : vector<5000x128xf32>
    %max3A_29 = arith.constant 0.000000e+00 : f32
    %max3A_30 = vector.broadcast %max3A_29 : f32 to vector<5000x128xf32>
    %max3A_31 = arith.maximumf %add3A_28, %max3A_30 : vector<5000x128xf32>
    %get3A_32 = arith.constant 0 : index
    %get3A_33 = arith.constant 0 : index
    %get3A_34 = vector.load %arg7[%get3A_32, %get3A_33] : memref<5000x128xf32, #tpu.memory_space<vmem>>, vector<5000x128xf32>
    %get3A_35 = arith.constant 0 : index
    %get3A_36 = arith.constant 0 : index
    %get3A_37 = vector.load %arg6[%get3A_35, %get3A_36] : memref<128x128xf32, #tpu.memory_space<vmem>>, vector<128x128xf32>
    %dot_general3A_38 = arith.constant dense<0.000000e+00> : vector<5000x128xf32>
    %dot_general3A_39 = tpu.matmul %max3A_31, %get3A_37, %dot_general3A_38 {dimension_numbers = #tpu.dot_dimension_numbers<[1], [0], [0], [1], [0, 0, 1, 1], [], []>, transpose_lhs_hint = false} : vector<5000x128xf32>, vector<128x128xf32>, vector<5000x128xf32> -> vector<5000x128xf32>
    %add3A_40 = arith.addf %get3A_34, %dot_general3A_39 : vector<5000x128xf32>
    %reduce_max3A = arith.constant dense<0xFF800000> : vector<5000xf32>
    %reduce_max3A_41 = vector.multi_reduction <maximumf>, %add3A_40, %reduce_max3A [1] : vector<5000x128xf32> to vector<5000xf32>
    %broadcast_in_dim3A = vector.shape_cast %reduce_max3A_41 : vector<5000xf32> to vector<5000x1xf32>
    %sub3A = vector.broadcast %broadcast_in_dim3A : vector<5000x1xf32> to vector<5000x128xf32>
    %sub3A_42 = arith.subf %add3A_40, %sub3A : vector<5000x128xf32>
    %exp3A = math.exp %sub3A_42 : vector<5000x128xf32>
    %reduce_sum3A = arith.constant dense<0.000000e+00> : vector<5000xf32>
    %reduce_sum3A_43 = vector.multi_reduction <add>, %exp3A, %reduce_sum3A [1] : vector<5000x128xf32> to vector<5000xf32>
    %broadcast_in_dim3A_44 = vector.shape_cast %reduce_sum3A_43 : vector<5000xf32> to vector<5000x1xf32>
    %log3A = math.log %broadcast_in_dim3A_44 : vector<5000x1xf32>
    %add3A_45 = arith.addf %log3A, %broadcast_in_dim3A : vector<5000x1xf32>
    %sub3A_46 = vector.broadcast %add3A_45 : vector<5000x1xf32> to vector<5000x128xf32>
    %sub3A_47 = arith.subf %add3A_40, %sub3A_46 : vector<5000x128xf32>
    %swap3A = arith.constant 0 : index
    %swap3A_48 = arith.constant 0 : index
    %swap3A_49 = vector.load %arg8[%swap3A, %swap3A_48] : memref<5000x128xf32, #tpu.memory_space<vmem>>, vector<5000x128xf32>
    tpu.vector_store %arg8[%swap3A, %swap3A_48], %sub3A_47 {strides = array<i32>} : memref<5000x128xf32, #tpu.memory_space<vmem>>, vector<5000x128xf32>,
    return
  }
  func.func @transform_0(%arg0: i32) -> (i32, i32) {
    %c0_i32 = arith.constant 0 : i32
    %c0_i32_0 = arith.constant 0 : i32
    return %arg0, %c0_i32 : i32, i32
  }
  func.func @transform_1(%arg0: i32) -> (i32, i32, i32) {
    %c0_i32 = arith.constant 0 : i32
    %c0_i32_0 = arith.constant 0 : i32
    %c0_i32_1 = arith.constant 0 : i32
    return %c0_i32, %arg0, %c0_i32_0 : i32, i32, i32
  }
  func.func @transform_2(%arg0: i32) -> (i32, i32) {
    %c0_i32 = arith.constant 0 : i32
    %c0_i32_0 = arith.constant 0 : i32
    %c0_i32_1 = arith.constant 0 : i32
    return %c0_i32, %c0_i32_0 : i32, i32
  }
  func.func @transform_3(%arg0: i32) -> (i32, i32) {
    %c0_i32 = arith.constant 0 : i32
    %c0_i32_0 = arith.constant 0 : i32
    %c0_i32_1 = arith.constant 0 : i32
    return %c0_i32, %c0_i32_0 : i32, i32
  }
  func.func @transform_4(%arg0: i32) -> (i32, i32) {
    %c0_i32 = arith.constant 0 : i32
    %c0_i32_0 = arith.constant 0 : i32
    %c0_i32_1 = arith.constant 0 : i32
    return %c0_i32, %c0_i32_0 : i32, i32
  }
  func.func @transform_5(%arg0: i32) -> (i32, i32) {
    %c0_i32 = arith.constant 0 : i32
    %c0_i32_0 = arith.constant 0 : i32
    %c0_i32_1 = arith.constant 0 : i32
    return %c0_i32, %c0_i32_0 : i32, i32
  }
  func.func @transform_6(%arg0: i32) -> (i32, i32) {
    %c0_i32 = arith.constant 0 : i32
    %c0_i32_0 = arith.constant 0 : i32
    return %arg0, %c0_i32 : i32, i32
  }
  func.func @transform_7(%arg0: i32) -> (i32, i32) {
    %c0_i32 = arith.constant 0 : i32
    %c0_i32_0 = arith.constant 0 : i32
    return %arg0, %c0_i32 : i32, i32
  }
}

</mosaic_0001>

<sc_bundles>
// kernel: kernel.11.cloned.1.call-start
scs
__scs_entry_jumppad:
0x0: {  	(pc) =	sbr.rel $0x88, $3  }
0x1: {  	(tag) =	ssettag $0x0;
	lr =	simm.s32 $0x1  }
0x2: {  	[smem:$0x3F95] =	sst lr;
	_ =	strace $0xD0000000  }
0x3: {  	_ = 	snop  }
0x4: {  	_ = 	snop  }
0x5: {  	_ = 	snop  }
0x6: {  	_ = 	snop  }
0x7: {  	_ = 	snop  }
__scs_overlays_trampoline_lowered:
0x8: {  	[smem:$0x3FA4] =	sst s0  }
0x9: {  	[smem:$0x3FA5] =	sst s1  }
0xa: {  	[smem:$0x3FA6] =	sst s2  }
0xb: {  	[smem:$0x3FA7] =	sst s3  }
0xc: {  	[smem:$0x3FA8] =	sst s4  }
0xd: {  	[smem:$0x3FA9] =	sst s5  }
0xe: {  	[smem:$0x3FAA] =	sst s6  }
0xf: {  	[smem:$0x3FAB] =	sst s7  }
0x10: {  	[smem:$0x3FAC] =	sst s8  }
0x11: {  	[smem:$0x3FAD] =	sst s9;
	s0 =	simm.s32 @!p0 $0x0  }
0x12: {  	s1 =	sld [smem:$0x3F93];
	s0 =	simm.s32 @p0 $0x1  }
0x13: {  	[smem:$0x3FAE] =	sst s0;
	s0 =	simm.s32 @!p1 $0x0  }
0x14: {  	s2 =	sld [smem:$0x3F92];
	s0 =	simm.s32 @p1 $0x1  }
0x15: {  	[smem:$0x3FAF] =	sst s0;
	s0 =	simm.s32 @!p2 $0x0  }
0x16: {  	s3 =	sld [smem:$0x3FDB];
	s0 =	simm.s32 @p2 $0x1  }
0x17: {  	s4 =	simm.s32 $0x1BF5;
	[smem:$0x3FB1] =	sst s0  }
0x18: {  	s0 =	sld [smem:$0x3F94];
	_ =	swait.ge [sflag:s4], $0x0  }
0x19: {  	s7 =	sld [smem:$0x3F95]  }
0x1a: {  	s8 =	sadd.s32 $0xFFFFE003, lr  }
0x1b: {  	s9 =	sadd.s32 $0xFFFFFEF7, lr;
	s5 =	simm.s32 $0xFFFFFFFF;
	p2 =	slt.u32 s8, $0xFFFFF086  }
0x1c: {  	p1 =	slt.u32 s9, $0xF7A;
	s5 =	simm.s32 @!p2 $0x0  }
0x1d: {  	s5 =	simm.s32 @p1 $0x1;
	p0 =	seq.s32 s7, s2  }
0x1e: {  	s7 =	smul.u32 @!p0 $0xF7A, s2;
	p2 =	seq.s32 @!p0 s5, $0x0  }
0x1f: {  	s9 =	smul.u32 $0xF7A, s1;
	s8 =	simm.s32 @!p0 $0x1BF5;
	p2 =	por !p2, p0  }
0x20: {  	[sflag:s8] =	ssyncset.s32 @!p0 $0xFFFFF086;
	s6 =	sadd.s32 @!p0 s3, s7;
	s7 =	simm.s32 @!p0 $0x108  }
0x21: {  	s3 =	sadd.s32 s3, s9;
	s6 =	sadd.s32 @!p0 $0x88, s6;
	s7 =	simm.s32 @p2 $0x1082  }
0x22: {  	[simem:s7], [sflag:s8] =	dma.local @!p0 [hbm:s6], $0xF7A  }
0x23: {  	s9 =	sor.u32 $0xD0000000, s2;
	s6 =	simm.s32 $0x108;
	_ =	swait.ge @!p0 [sflag:s8], $0x0  }
0x24: {  	s3 =	sadd.s32 $0x88, s3;
	s6 =	simm.s32 @!p1 $0x1082;
	[sflag:s4] =	ssyncset.s32 $0xFFFFF086  }
0x25: {  	[simem:s6], [sflag:s4] =	dma.local [hbm:s3], $0xF7A  }
0x26: {  	[smem:$0x3F95] =	sst s1;
	(tag) =	ssettag s2;
	_ =	strace s9  }
0x27: {  	s1 =	sld [smem:$0x3FA5]  }
0x28: {  	s2 =	sld [smem:$0x3FA6]  }
0x29: {  	s4 =	sld [smem:$0x3FA8]  }
0x2a: {  	p0 =	seq.s32 s5, $0x0;
	s5 =	sld [smem:$0x3FA9]  }
0x2b: {  	s6 =	sld [smem:$0x3FAA]  }
0x2c: {  	s7 =	sld [smem:$0x3FAB]  }
0x2d: {  	s3 =	simm.s32 $0x108;
	s8 =	sld [smem:$0x3FAC]  }
0x2e: {  	s3 =	simm.s32 @!p0 $0x1082;
	s9 =	sld [smem:$0x3FAD]  }
0x2f: {  	lr =	sadd.s32 s0, s3;
	s0 =	sld [smem:$0x3FA4]  }
0x30: {  	s3 =	sld [smem:$0x3FA7]  }
0x31: {  	[smem:$0x3FB0] =	sst s10  }
0x32: {  	s10 =	sld [smem:$0x3FAE];
	_ =	sdelay $0x3  }
0x33: {  	p0 =	seq.s32 s10, $0x1;
	s10 =	sld [smem:$0x3FB0];
	_ =	sdelay $0x3  }
0x34: {  	[smem:$0x3FB0] =	sst s10  }
0x35: {  	s10 =	sld [smem:$0x3FAF];
	_ =	sdelay $0x3  }
0x36: {  	p1 =	seq.s32 s10, $0x1;
	s10 =	sld [smem:$0x3FB0];
	_ =	sdelay $0x3  }
0x37: {  	[smem:$0x3FB0] =	sst s10  }
0x38: {  	s10 =	sld [smem:$0x3FB1]  }
0x39: {  	_ = 	snop;
	(pc) =	sbr.ind lr, $3  }
0x3a: {  	_ = 	snop  }
0x3b: {  	_ = 	snop  }
0x3c: {  	p2 =	seq.s32 s10, $0x1;
	s10 =	sld [smem:$0x3FB0]  }
0x3d: {  	_ =	shalt  }
0x3e: {  	_ =	shalt  }
0x3f: {  	_ =	shalt  }
0x40: {  	_ =	shalt  }
0x41: {  	_ =	shalt  }
0x42: {  	_ =	shalt  }
0x43: {  	_ =	shalt  }
0x44: {  	_ =	shalt  }
0x45: {  	_ =	shalt  }
0x46: {  	_ =	shalt  }
0x47: {  	_ =	shalt  }
0x48: {  	_ =	shalt  }
0x49: {  	_ =	shalt  }
0x4a: {  	_ =	shalt  }
0x4b: {  	_ =	shalt  }
0x4c: {  	_ =	shalt  }
0x4d: {  	_ =	shalt  }
0x4e: {  	_ =	shalt  }
0x4f: {  	_ =	shalt  }
0x50: {  	_ =	shalt  }
0x51: {  	_ =	shalt  }
0x52: {  	_ =	shalt  }
0x53: {  	_ =	shalt  }
0x54: {  	_ =	shalt  }
0x55: {  	_ =	shalt  }
0x56: {  	_ =	shalt  }
0x57: {  	_ =	shalt  }
0x58: {  	_ =	shalt  }
0x59: {  	_ =	shalt  }
0x5a: {  	_ =	shalt  }
0x5b: {  	_ =	shalt  }
0x5c: {  	_ =	shalt  }
0x5d: {  	_ =	shalt  }
0x5e: {  	_ =	shalt  }
0x5f: {  	_ =	shalt  }
0x60: {  	_ =	shalt  }
0x61: {  	_ =	shalt  }
0x62: {  	_ =	shalt  }
0x63: {  	_ =	shalt  }
0x64: {  	_ =	shalt  }
0x65: {  	_ =	shalt  }
0x66: {  	_ =	shalt  }
0x67: {  	_ =	shalt  }
0x68: {  	_ =	shalt  }
0x69: {  	_ =	shalt  }
0x6a: {  	_ =	shalt  }
0x6b: {  	_ =	shalt  }
0x6c: {  	_ =	shalt  }
0x6d: {  	_ =	shalt  }
0x6e: {  	_ =	shalt  }
0x6f: {  	_ =	shalt  }
0x70: {  	_ =	shalt  }
0x71: {  	_ =	shalt  }
0x72: {  	_ =	shalt  }
0x73: {  	_ =	shalt  }
0x74: {  	_ =	shalt  }
0x75: {  	_ =	shalt  }
0x76: {  	_ =	shalt  }
0x77: {  	_ =	shalt  }
0x78: {  	_ =	shalt  }
0x79: {  	_ =	shalt  }
0x7a: {  	_ =	shalt  }
0x7b: {  	_ =	shalt  }
0x7c: {  	_ =	shalt  }
0x7d: {  	_ =	shalt  }
0x7e: {  	_ =	shalt  }
0x7f: {  	_ =	shalt  }
0x80: {  	_ =	shalt  }
0x81: {  	_ =	shalt  }
0x82: {  	_ =	shalt  }
0x83: {  	_ =	shalt  }
0x84: {  	_ =	shalt  }
0x85: {  	_ =	shalt  }
0x86: {  	_ =	shalt  }
0x87: {  	_ =	shalt  }
.Lfunc_end0:
.L_simem_size_0:
called_computation.1_lowered:
.L_overlay_start_0:
0x88: {  	s2 =	sld [smem:$0x3FD9]  }
0x89: {  	s3 =	sld [smem:$0x3FFE];
	_ =	sdelay $0x1  }
0x8a: {  	s1 =	srdreg.scid  }
0x8b: {  	s0 =	sand.u32 $0x1, s1  }
0x8c: {  	s17 =	sshll.u32 s0, $0xA;
	s2 =	sadd.s32 s3, s2  }
0x8d: {  	s2 =	sadd.s32 s2, s17  }
0x8e: {  	[smem:$0x3FBC] =	sst s2  }
0x8f: {  	_ = 	snop  }
0x90: {  	s2 =	sld [smem:$0x3FD0];
	(tm) =	ssettm $0x1  }
0x91: {  	s18 =	sld [smem:$0x3FFB];
	_ =	sdelay $0x3  }
0x92: {  	_ =	strace s18  }
0x93: {  	s3 =	sld [smem:$0x3FFC];
	_ =	sdelay $0x3  }
0x94: {  	_ =	strace s3  }
0x95: {  	s3 =	sld [smem:$0x3FFD];
	_ =	sdelay $0x3  }
0x96: {  	_ =	strace s3  }
0x97: {  	_ =	strace $0x8FFFFFFF  }
0x98: {  	s19 =	sld [smem:$0x3FDB];
	_ =	sdelay $0x1  }
0x99: {  	s4 =	simm.s32 $_scs_section_size  }
0x9a: {  	s5 =	simm.s32 $_size__tile_overlayer_lowered;
	s6 =	simm.s32 $_tile_overlayer_lowered  }
0x9b: {  	s22 =	simm.s32 $0x1BFF;
	s21 =	sshll.u32 s6, $0x1;
	s3 =	sadd.s32 s4, s19  }
0x9c: {  	s7 =	simm.s32 $0x0;
	s20 =	sshll.u32 s5, $0x1;
	s5 =	sadd.s32 s21, s3  }
0x9d: {  	[timem:s7], [sflag:s22] =	dma.local [hbm:s5], s20  }
0x9e: {  	_ =	swait.ge [sflag:s22], s20  }
0x9f: {  	s4 =	ssub.s32 $0x0, s20;
	[sflag:s22] =	ssyncset.done $0x0  }
0xa0: {  	[sflag:s22] =	ssyncadd.s32 s4;
	_ =	sdelay $0x1  }
0xa1: {  	s23 =	simm.s32 $0x1B8B  }
0xa2: {  	_ =	swait.ge [sflag:s23], $0x1  }
0xa3: {  	[sflag:s23] =	ssyncset.done $0x0  }
0xa4: {  	s25 =	simm.s32 $0x1B8E;
	s24 =	sld [smem:$0x3FFE];
	[sflag:s23] =	ssyncadd.s32 $0xFFFFFFFF  }
0xa5: {  	s26 =	simm.s32 $execute0_lowered;
	[smem:$0x3FD2] =	sst s25  }
0xa6: {  	s5 =	sshll.u32 s26, $0x1;
	_ =	strace $0x80000049;
	[dreg:$0x1] =	wrdreg $0xFFFFFFFF  }
0xa7: {  	s28 =	simm.s32 $_size_execute0_lowered;
	s3 =	sadd.s32 s3, s5;
	[dreg:$0x0] =	wrdreg $0x0  }
0xa8: {  	s5 =	sshll.u32 s28, $0x1;
	[dreg:$0x2] =	wrdreg s3  }
0xa9: {  	[dreg:$0x3] =	wrdreg s5  }
0xaa: {  	[dreg:$0x4] =	wrdreg $0xC0  }
0xab: {  	_ =	task [dreg:s7], $0x5FFFF  }
0xac: {  	[dreg:$0x1] =	wrdreg $0xFFFFFFFF  }
0xad: {  	[dreg:$0x0] =	wrdreg $0x60  }
0xae: {  	[dreg:$0x2] =	wrdreg s2  }
0xaf: {  	[dreg:$0x3] =	wrdreg s24  }
0xb0: {  	[dreg:$0x4] =	wrdreg $0xC7000  }
0xb1: {  	[dreg:$0x5] =	wrdreg $0x9  }
0xb2: {  	_ =	task.clear_ibuf [dreg:s7], $0x6FFFF;
	_ =	strace $0x90000049  }
0xb3: {  	s29 =	simm.s32 $0x9;
	_ =	strace $0x8000004B  }
0xb4: {  	_ =	swait.ge [sflag:s29], $0x1  }
0xb5: {  	[sflag:s29] =	ssyncadd.s32 $0xFFFFFFFF  }
0xb6: {  	_ =	strace $0x9000004B  }
0xb7: {  	_ =	sfence  }
0xb8: {  	s30 =	sld [smem:$0x0];
	_ =	sdelay $0x2  }
0xb9: {  	s31 =	sshll.u32 s1, $0xD;
	s1 =	sshrl.u32 s1, $0x2  }
0xba: {  	s3 =	sand.u32 $0x4000, s31;
	s1 =	sadd.s32 s1, s30  }
0xbb: {  	s0 =	sor.u32 s3, s0;
	s1 =	sshll.u32 s1, $0x11  }
0xbc: {  	s0 =	sor.u32 s1, s0  }
0xbd: {  	s0 =	sadd.s32 $0x8F2B, s0  }
0xbe: {  	[sflag:s0] =	ssyncadd.remote.s32 $0x1  }
0xbf: {  	_ =	sfence.sel $0xFFFF  }
0xc0: {  	[dreg:$0x0] =	wrdreg $0xFFFFFFFF;
	(pc) =	sbr.abs _section_cstart, $3  }
0xc1: {  	[dreg:$0x1] =	wrdreg $0xFFFFFFFF  }
0xc2: {  	_ =	task.clear_ibuf [dreg:s7], $0x2FFFF;
	_ =	strace $0x9FFFFFFF  }
0xc3: {  	(tm) =	ssettm $0x7FFFFFFF  }
tec
execute0_lowered:
.L_overlay_start_1:
0x0: {  	(tag) =	ssettag $0x1  }
0x1: {  	s0 =	srdreg.scid;
	s1 =	rddreg [dreg:$0x0]  }
0x2: {  	s20 =	stileid.u32;
	s4 =	rddreg [dreg:$0x1]  }
0x3: {  	s3 =	rddreg [dreg:$0x2];
	s5 =	simm.s32 $0x0;
	s19 =	simm.s32 $0x2780  }
0x4: {  	s21 =	simm.s32 $0x2;
	s22 =	simm.s32 $0x4F00;
	s23 =	simm.s32 $0x7  }
0x5: {  	s24 =	simm.s32 $0x50;
	s28 =	simm.s32 $0x9F00;
	s30 =	simm.s32 $0x4  }
0x6: {  	s29 =	simm.s32 $0x0;
	s0 =	sand.u32 $0x1, s0;
	s25 =	smul.u32 $0x4E000, s20  }
0x7: {  	s2 =	sshll.u32 s20, $0x1;
	[smem:$0x7FF] =	sst s5;
	s31 =	smul.u32 $0x13800, s20  }
0x8: {  	s15 =	sadd.s32 $0x138000, s3;
	p0 =	sne.s32 s20, $0x0;
	s20 =	simm.s32 $0x1  }
0x9: {  	s2 =	sor.u32 s0, s2;
	_ =	strace $0x8000004A;
	s6 =	ssub.s32 $0x2, s0  }
0xa: {  	s2 =	smul.u32 $0x2710, s2;
	s7 =	sshrl.u32 s6, $0x1;
	s8 =	sshrl.u32 s25, $0x2  }
0xb: {  	s0 =	smul.u32 $0x138800, s0;
	s18 =	ssub.s32 s6, s7;
	s6 =	sadd.s32 s8, s3  }
0xc: {  	s25 =	simm.s32 $0x7700;
	s2 =	sshrl.u32 s2, $0x3;
	s8 =	sadd.s32 $0x2800, s6  }
0xd: {  	s9 =	sadd.s32 $0x5000, s6;
	s10 =	sadd.s32 $0x7800, s6;
	s11 =	sadd.s32 $0xA000, s6  }
0xe: {  	s12 =	sadd.s32 $0xC800, s6;
	s13 =	sadd.s32 $0xF000, s6;
	s14 =	sadd.s32 $0x11800, s6  }
0xf: {  	s18 =	smax.u32 s18, $0x1;
	s2 =	sadd.s32 s2, s4;
	s4 =	sadd.s32 $0x16A00, s4  }
0x10: {  	s26 =	sadd.s32 $0x3000, s2;
	s7 =	sadd.s32 $0xCC40, s2;
	s2 =	sadd.s32 s31, s0  }
0x11: {  	s0 =	sshrl.u32 s0, $0x3;
	[dreg:$0x4] =	wrdreg s26;
	s2 =	sshrl.u32 s2, $0x3  }
0x12: {  	s0 =	sadd.s32 s4, s0;
	s26 =	simm.s32 $0x6;
	s16 =	sadd.s32 s4, s2  }
0x13: {  	v0 =	vimm.f32 $0.0e+00;
	s17 =	sadd.s32 $0x27000, s0;
	s2 =	simm.s32 $0x3;
	s0 =	simm.s32 $0x5  }
.LBB2_1:
0x14: {  	s4 =	simm.s32 $0x0;
	s5 =	rddreg [dreg:$0x4]  }
0x15: {  	[tilespmem:s4], [sflag:$0x1] =	stream.linear.gather [hbm4b:s5+s4], $0x2710, $0x38;
	[tilespmem:$0x1FF80] =	vst v63  }
0x16: {  	_ = 	snop  }
0x17: {  	[tilespmem:s19], [sflag:$0x2] =	stream.linear.gather [hbm4b:s7+s4], $0x2710, $0x38;
	[tilespmem:$0x1FF80] =	vst v63  }
0x18: {  	s31 =	simm.s32 $0x0;
	s4 =	simm.s32 $0x200  }
.LBB2_2:
0x19: {  	p1 =	sne.s32 s4, $0x9E00;
	[tilespmem:s31+$0x4F70] =	vst v0  }
0x1a: {  	[tilespmem:s31+$0x4F00] =	vst v0  }
0x1b: {  	[tilespmem:s31+$0x4F10] =	vst v0  }
.Ltmp0:
0x1c: {  	[tilespmem:s31+$0x4F20] =	vst v0;
	(pc) =	sbr.rel @p1 .LBB2_2-.Ltmp0, $4  }
0x1d: {  	[tilespmem:s31+$0x4F30] =	vst v0  }
0x1e: {  	[tilespmem:s31+$0x4F40] =	vst v0  }
0x1f: {  	[tilespmem:s31+$0x4F50] =	vst v0  }
0x20: {  	[tilespmem:s31+$0x4F60] =	vst v0;
	s31 =	sshra.s32 s4, $0x2;
	s4 =	sadd.s32 $0x200, s4  }
0x21: {  	[tilespmem:s31+$0x4F70] =	vst v0  }
0x22: {  	[tilespmem:s31+$0x4F00] =	vst v0  }
0x23: {  	[tilespmem:s31+$0x4F10] =	vst v0  }
0x24: {  	[tilespmem:s31+$0x4F20] =	vst v0  }
0x25: {  	[tilespmem:s31+$0x4F30] =	vst v0  }
0x26: {  	[tilespmem:s31+$0x4F40] =	vst v0  }
0x27: {  	[tilespmem:s31+$0x4F50] =	vst v0  }
0x28: {  	[tilespmem:s31+$0x4F60] =	vst v0  }
0x29: {  	_ =	swait.ge [sflag:s20], $0x2710  }
0x2a: {  	[sflag:s20] =	ssyncset.done $0x0  }
0x2b: {  	[sflag:s20] =	ssyncadd.s32 $0xFFFFD8F0  }
0x2c: {  	_ =	swait.ge [sflag:s21], $0x2710  }
0x2d: {  	[sflag:s21] =	ssyncset.done $0x0  }
0x2e: {  	[sflag:s21] =	ssyncadd.s32 $0xFFFFD8F0  }
0x2f: {  	[spmem:s6] =	stream.linear.scatter [tilespmem:s22], [sflag:$0x7], $0x2800, $0x38;
	[tilespmem:$0x1FF80] =	vst v63  }
0x30: {  	_ =	swait.ge [sflag:s23], $0x2800  }
0x31: {  	[sflag:s23] =	ssyncset.done $0x0  }
0x32: {  	[sflag:s23] =	ssyncadd.s32 $0xFFFFD800  }
0x33: {  	[spmem:s8] =	stream.linear.scatter [tilespmem:s22], [sflag:$0x7], $0x2800, $0x38;
	[tilespmem:$0x1FF80] =	vst v63  }
0x34: {  	_ =	swait.ge [sflag:s23], $0x2800  }
0x35: {  	[sflag:s23] =	ssyncset.done $0x0  }
0x36: {  	[sflag:s23] =	ssyncadd.s32 $0xFFFFD800  }
0x37: {  	[spmem:s9] =	stream.linear.scatter [tilespmem:s22], [sflag:$0x7], $0x2800, $0x38;
	[tilespmem:$0x1FF80] =	vst v63  }
0x38: {  	_ =	swait.ge [sflag:s23], $0x2800  }
0x39: {  	[sflag:s23] =	ssyncset.done $0x0  }
0x3a: {  	[sflag:s23] =	ssyncadd.s32 $0xFFFFD800  }
0x3b: {  	[spmem:s10] =	stream.linear.scatter [tilespmem:s22], [sflag:$0x7], $0x2800, $0x38;
	[tilespmem:$0x1FF80] =	vst v63  }
0x3c: {  	_ =	swait.ge [sflag:s23], $0x2800  }
0x3d: {  	[sflag:s23] =	ssyncset.done $0x0  }
0x3e: {  	[sflag:s23] =	ssyncadd.s32 $0xFFFFD800  }
0x3f: {  	[spmem:s11] =	stream.linear.scatter [tilespmem:s22], [sflag:$0x7], $0x2800, $0x38;
	[tilespmem:$0x1FF80] =	vst v63  }
0x40: {  	_ =	swait.ge [sflag:s23], $0x2800  }
0x41: {  	[sflag:s23] =	ssyncset.done $0x0  }
0x42: {  	[sflag:s23] =	ssyncadd.s32 $0xFFFFD800  }
0x43: {  	[spmem:s12] =	stream.linear.scatter [tilespmem:s22], [sflag:$0x7], $0x2800, $0x38;
	[tilespmem:$0x1FF80] =	vst v63  }
0x44: {  	_ =	swait.ge [sflag:s23], $0x2800  }
0x45: {  	[sflag:s23] =	ssyncset.done $0x0  }
0x46: {  	[sflag:s23] =	ssyncadd.s32 $0xFFFFD800  }
0x47: {  	[spmem:s13] =	stream.linear.scatter [tilespmem:s22], [sflag:$0x7], $0x2800, $0x38;
	[tilespmem:$0x1FF80] =	vst v63  }
0x48: {  	_ =	swait.ge [sflag:s23], $0x2800  }
0x49: {  	[sflag:s23] =	ssyncset.done $0x0  }
0x4a: {  	[sflag:s23] =	ssyncadd.s32 $0xFFFFD800  }
0x4b: {  	[spmem:s14] =	stream.linear.scatter [tilespmem:s22], [sflag:$0x7], $0x2000, $0x38;
	[tilespmem:$0x1FF80] =	vst v63  }
0x4c: {  	_ =	swait.ge [sflag:s23], $0x2000  }
0x4d: {  	[sflag:s23] =	ssyncset.done $0x0  }
0x4e: {  	s4 =	simm.s32 @!p0 $0x4F00;
	[sflag:s23] =	ssyncadd.s32 $0xFFFFE000  }
0x4f: {  	[spmem:s15] =	stream.linear.scatter @!p0 [tilespmem:s4], [sflag:$0x7], $0x800, $0x38;
	[tilespmem:$0x1FF80] =	vst v63  }
0x50: {  	s4 =	simm.s32 @!p0 $0x7  }
0x51: {  	_ =	swait.ge @!p0 [sflag:s4], $0x800  }
0x52: {  	[sflag:s4] =	ssyncset.done @!p0 $0x0  }
0x53: {  	[sflag:s4] =	ssyncadd.s32 @!p0 $0xFFFFF800  }
0x54: {  	s5 =	simm.s32 $0x0;
	[bflag:$0x0] =	sbarrier.arrive $0xFFFF  }
0x55: {  	[tilespmem:s22], [sflag:$0x1] =	stream.indirect.gather [hbm4b:s1+s24], $0x80, s5, s24, $0xb8;
	[tilespmem:$0x1FF80] =	vst v63  }
0x56: {  	_ = 	snop  }
0x57: {  	[tilespmem:s25], [sflag:$0x2] =	stream.indirect.gather [hbm4b:s1+s24], $0x80, s24, s24, $0xb8;
	[tilespmem:$0x1FF80] =	vst v63  }
0x58: {  	_ =	swait.ge [sflag:s20], $0x2800  }
0x59: {  	[sflag:s20] =	ssyncset.done $0x0  }
0x5a: {  	[sflag:s20] =	ssyncadd.s32 $0xFFFFD800  }
0x5b: {  	[spmem:s3] =	stream.indirect.scatter.add.f32 [tilespmem:s22], [sflag:$0x4], $0x80, s19, s24, $0xb8;
	[tilespmem:$0x1FF80] =	vst v63  }
0x5c: {  	s5 =	simm.s32 $0xA0  }
0x5d: {  	[tilespmem:s28], [sflag:$0x3] =	stream.indirect.gather [hbm4b:s1+s24], $0x80, s5, s24, $0xb8;
	[tilespmem:$0x1FF80] =	vst v63  }
0x5e: {  	_ =	swait.ge [sflag:s21], $0x2800  }
0x5f: {  	[sflag:s21] =	ssyncset.done $0x0  }
0x60: {  	s5 =	simm.s32 $0x27D0;
	[sflag:s21] =	ssyncadd.s32 $0xFFFFD800  }
0x61: {  	[spmem:s3] =	stream.indirect.scatter.add.f32 [tilespmem:s25], [sflag:$0x5], $0x80, s5, s24, $0xb8;
	[tilespmem:$0x1FF80] =	vst v63  }
0x62: {  	_ =	swait.ge [sflag:s30], $0x2800  }
0x63: {  	[sflag:s30] =	ssyncset.done $0x0  }
0x64: {  	s5 =	simm.s32 $0xF0;
	[sflag:s30] =	ssyncadd.s32 $0xFFFFD800  }
0x65: {  	[tilespmem:s22], [sflag:$0x1] =	stream.indirect.gather [hbm4b:s1+s24], $0x80, s5, s24, $0xb8;
	[tilespmem:$0x1FF80] =	vst v63  }
0x66: {  	_ =	swait.ge [sflag:s2], $0x2800  }
0x67: {  	[sflag:s2] =	ssyncset.done $0x0  }
0x68: {  	s5 =	simm.s32 $0x2820;
	[sflag:s2] =	ssyncadd.s32 $0xFFFFD800  }
0x69: {  	[spmem:s3] =	stream.indirect.scatter.add.f32 [tilespmem:s28], [sflag:$0x6], $0x80, s5, s24, $0xb8;
	[tilespmem:$0x1FF80] =	vst v63  }
0x6a: {  	_ =	swait.ge [sflag:s0], $0x2800  }
0x6b: {  	[sflag:s0] =	ssyncset.done $0x0  }
0x6c: {  	s5 =	simm.s32 $0x140;
	[sflag:s0] =	ssyncadd.s32 $0xFFFFD800  }
0x6d: {  	[tilespmem:s25], [sflag:$0x2] =	stream.indirect.gather [hbm4b:s1+s24], $0x80, s5, s24, $0xb8;
	[tilespmem:$0x1FF80] =	vst v63  }
0x6e: {  	_ =	swait.ge [sflag:s20], $0x2800  }
0x6f: {  	[sflag:s20] =	ssyncset.done $0x0  }
0x70: {  	s5 =	simm.s32 $0x2870;
	[sflag:s20] =	ssyncadd.s32 $0xFFFFD800  }
0x71: {  	[spmem:s3] =	stream.indirect.scatter.add.f32 [tilespmem:s22], [sflag:$0x4], $0x80, s5, s24, $0xb8;
	[tilespmem:$0x1FF80] =	vst v63  }
0x72: {  	_ =	swait.ge [sflag:s26], $0x2800  }
0x73: {  	[sflag:s26] =	ssyncset.done $0x0  }
0x74: {  	s5 =	simm.s32 $0x190;
	[sflag:s26] =	ssyncadd.s32 $0xFFFFD800  }
0x75: {  	[tilespmem:s28], [sflag:$0x3] =	stream.indirect.gather [hbm4b:s1+s24], $0x80, s5, s24, $0xb8;
	[tilespmem:$0x1FF80] =	vst v63  }
0x76: {  	_ =	swait.ge [sflag:s21], $0x2800  }
0x77: {  	[sflag:s21] =	ssyncset.done $0x0  }
0x78: {  	s5 =	simm.s32 $0x28C0;
	[sflag:s21] =	ssyncadd.s32 $0xFFFFD800  }
0x79: {  	[spmem:s3] =	stream.indirect.scatter.add.f32 [tilespmem:s25], [sflag:$0x5], $0x80, s5, s24, $0xb8;
	[tilespmem:$0x1FF80] =	vst v63  }
0x7a: {  	_ =	swait.ge [sflag:s30], $0x2800  }
0x7b: {  	[sflag:s30] =	ssyncset.done $0x0  }
0x7c: {  	s31 =	simm.s32 $0x3C0;
	s4 =	simm.s32 $0x1E0;
	[sflag:s30] =	ssyncadd.s32 $0xFFFFD800  }
.LBB2_4:
0x7d: {  	[tilespmem:s22], [sflag:$0x1] =	stream.indirect.gather [hbm4b:s1+s24], $0x80, s4, s24, $0xb8;
	[tilespmem:$0x1FF80] =	vst v63  }
0x7e: {  	s4 =	smov.u32 s31  }
0x7f: {  	p1 =	sne.s32 s31, $0x9240;
	s31 =	sadd.s32 $0x3C0, s31;
	_ =	swait.ge [sflag:s2], $0x2800  }
0x80: {  	s4 =	sshra.s32 s4, $0x2;
	[sflag:s2] =	ssyncset.done $0x0  }
0x81: {  	s5 =	sadd.s32 $0x2820, s4;
	[sflag:s2] =	ssyncadd.s32 $0xFFFFD800  }
0x82: {  	[spmem:s3] =	stream.indirect.scatter.add.f32 [tilespmem:s28], [sflag:$0x6], $0x80, s5, s24, $0xb8;
	[tilespmem:$0x1FF80] =	vst v63  }
0x83: {  	_ =	swait.ge [sflag:s0], $0x2800  }
0x84: {  	[sflag:s0] =	ssyncset.done $0x0  }
0x85: {  	s5 =	sadd.s32 $0x140, s4;
	[sflag:s0] =	ssyncadd.s32 $0xFFFFD800  }
0x86: {  	[tilespmem:s25], [sflag:$0x2] =	stream.indirect.gather [hbm4b:s1+s24], $0x80, s5, s24, $0xb8;
	[tilespmem:$0x1FF80] =	vst v63  }
0x87: {  	_ =	swait.ge [sflag:s20], $0x2800  }
0x88: {  	[sflag:s20] =	ssyncset.done $0x0  }
0x89: {  	s5 =	sadd.s32 $0x2870, s4;
	[sflag:s20] =	ssyncadd.s32 $0xFFFFD800  }
0x8a: {  	[spmem:s3] =	stream.indirect.scatter.add.f32 [tilespmem:s22], [sflag:$0x4], $0x80, s5, s24, $0xb8;
	[tilespmem:$0x1FF80] =	vst v63  }
0x8b: {  	_ =	swait.ge [sflag:s26], $0x2800  }
0x8c: {  	[sflag:s26] =	ssyncset.done $0x0  }
0x8d: {  	s5 =	sadd.s32 $0x190, s4;
	[sflag:s26] =	ssyncadd.s32 $0xFFFFD800  }
0x8e: {  	[tilespmem:s28], [sflag:$0x3] =	stream.indirect.gather [hbm4b:s1+s24], $0x80, s5, s24, $0xb8;
	[tilespmem:$0x1FF80] =	vst v63  }
0x8f: {  	_ =	swait.ge [sflag:s21], $0x2800  }
0x90: {  	[sflag:s21] =	ssyncset.done $0x0  }
.Ltmp1:
0x91: {  	s5 =	sadd.s32 $0x28C0, s4;
	[sflag:s21] =	ssyncadd.s32 $0xFFFFD800;
	(pc) =	sbr.rel @p1 .LBB2_4-.Ltmp1, $4  }
0x92: {  	[spmem:s3] =	stream.indirect.scatter.add.f32 [tilespmem:s25], [sflag:$0x5], $0x80, s5, s24, $0xb8;
	[tilespmem:$0x1FF80] =	vst v63  }
0x93: {  	_ =	swait.ge [sflag:s30], $0x2800  }
0x94: {  	[sflag:s30] =	ssyncset.done $0x0  }
0x95: {  	s4 =	sadd.s32 $0x1E0, s4;
	[sflag:s30] =	ssyncadd.s32 $0xFFFFD800  }
0x96: {  	[tilespmem:s22], [sflag:$0x1] =	stream.indirect.gather [hbm4b:s1+s24], $0x80, s4, s24, $0xb8;
	[tilespmem:$0x1FF80] =	vst v63  }
0x97: {  	_ =	swait.ge [sflag:s2], $0x2800  }
0x98: {  	[sflag:s2] =	ssyncset.done $0x0  }
0x99: {  	s31 =	simm.s32 $0x4DA0;
	[sflag:s2] =	ssyncadd.s32 $0xFFFFD800  }
0x9a: {  	[spmem:s3] =	stream.indirect.scatter.add.f32 [tilespmem:s28], [sflag:$0x6], $0x80, s31, s24, $0xb8;
	[tilespmem:$0x1FF80] =	vst v63  }
0x9b: {  	_ =	swait.ge [sflag:s0], $0x2800  }
0x9c: {  	[sflag:s0] =	ssyncset.done $0x0  }
0x9d: {  	s5 =	simm.s32 $0x26C0;
	[sflag:s0] =	ssyncadd.s32 $0xFFFFD800  }
0x9e: {  	[tilespmem:s25], [sflag:$0x2] =	stream.indirect.gather [hbm4b:s1+s24], $0x80, s5, s24, $0xb8;
	[tilespmem:$0x1FF80] =	vst v63  }
0x9f: {  	_ =	swait.ge [sflag:s20], $0x2800  }
0xa0: {  	[sflag:s20] =	ssyncset.done $0x0  }
0xa1: {  	s31 =	simm.s32 $0x4DF0;
	[sflag:s20] =	ssyncadd.s32 $0xFFFFD800  }
0xa2: {  	[spmem:s3] =	stream.indirect.scatter.add.f32 [tilespmem:s22], [sflag:$0x4], $0x80, s31, s24, $0xb8;
	[tilespmem:$0x1FF80] =	vst v63  }
0xa3: {  	_ =	swait.ge [sflag:s26], $0x2800  }
0xa4: {  	[sflag:s26] =	ssyncset.done $0x0  }
0xa5: {  	[sflag:s26] =	ssyncadd.s32 $0xFFFFD800  }
0xa6: {  	_ =	swait.ge [sflag:s21], $0x2800  }
0xa7: {  	[sflag:s21] =	ssyncset.done $0x0  }
0xa8: {  	s5 =	simm.s32 $0x4E40;
	[sflag:s21] =	ssyncadd.s32 $0xFFFFD800  }
0xa9: {  	[spmem:s3] =	stream.indirect.scatter.add.f32 [tilespmem:s25], [sflag:$0x5], $0x80, s5, s24, $0xb8;
	[tilespmem:$0x1FF80] =	vst v63  }
0xaa: {  	_ =	swait.ge [sflag:s30], $0x2800  }
0xab: {  	[sflag:s30] =	ssyncset.done $0x0  }
0xac: {  	[sflag:s30] =	ssyncadd.s32 $0xFFFFD800  }
0xad: {  	_ =	swait.ge [sflag:s0], $0x2800  }
0xae: {  	s31 =	stileid.u32;
	[sflag:s0] =	ssyncset.done $0x0  }
0xaf: {  	s4 =	sshll.u32 s31, $0x6;
	[sflag:s0] =	ssyncadd.s32 $0xFFFFD800  }
0xb0: {  	s4 =	sor.u32 $0x1C07, s4;
	s5 =	sshrl.u32 s6, $0x3;
	[bflag:$0x0] =	sbarrier.arrive $0xFFFF  }
0xb1: {  	[hbm:s16], [sflag:s4] =	dma.local [spmem:s5], $0x2700  }
0xb2: {  	_ =	swait.ge [sflag:s23], $0x2700  }
0xb3: {  	s29 =	sadd.s32 $0x1, s29;
	[sflag:s23] =	ssyncset.done $0x0  }
0xb4: {  	p1 =	sne.s32 s29, s18;
	s5 =	sshrl.u32 @!p0 s15, $0x3;
	[sflag:s23] =	ssyncadd.s32 $0xFFFFD900  }
0xb5: {  	[hbm:s17], [sflag:s4] =	dma.local @!p0 [spmem:s5], $0x100  }
.Ltmp2:
0xb6: {  	_ = 	snop;
	(pc) =	sbr.rel @p1 .LBB2_1-.Ltmp2, $4  }
0xb7: {  	s4 =	simm.s32 @!p0 $0x7  }
0xb8: {  	_ =	swait.ge @!p0 [sflag:s4], $0x100  }
0xb9: {  	[sflag:s4] =	ssyncset.done @!p0 $0x0  }
0xba: {  	[sflag:s4] =	ssyncadd.s32 @!p0 $0xFFFFFF00  }
0xbb: {  	_ =	sfence.sel $0x180000  }
0xbc: {  	[bflag:$0x0] =	sbarrier.arrive $0xFFFF  }
0xbd: {  	_ =	strace $0x9000004A  }
0xbe: {  	[bflag:$0x2] =	sbarrier.arrive $0xFFFF  }
0xbf: {  	s0 =	rddreg [dreg:$0x3]  }
0xc0: {  	s0 =	sadd.s32 @!p0 $0x100000, s0  }
0xc1: {  	[sflag:s0] =	ssyncadd.tile.s32 @!p0 $0x1;
	_ =	shalt  }
.Lfunc_end2:
_tile_overlayer_lowered:
.L_overlay_start_2:
0xc2: {  	(tag) =	ssettag $0x2  }
0xc3: {  	s0 =	rddreg [dreg:$0x0];
	s2 =	stileid.u32  }
0xc4: {  	s1 =	rddreg [dreg:$0x1];
	p0 =	sne.s32 s2, $0x0  }
0xc5: {  	s3 =	rddreg [dreg:$0x2];
	[bflag:$0x3] =	sbarrier.arrive $0xFFFF;
	s2 =	simm.s32 @!p0 $0x1C07  }
0xc6: {  	[timem:s3], [sflag:s2] =	dma.local @!p0 [hbm:s0], s1  }
0xc7: {  	s0 =	simm.s32 @!p0 $0x7  }
0xc8: {  	_ =	swait.ge @!p0 [sflag:s0], s1  }
0xc9: {  	s1 =	ssub.s32 @!p0 $0x0, s1;
	[sflag:s0] =	ssyncset.done @!p0 $0x0  }
0xca: {  	[sflag:s0] =	ssyncadd.s32 @!p0 s1  }
0xcb: {  	[bflag:$0x3] =	sbarrier.arrive $0xFFFF  }
0xcc: {  	_ =	shalt  }

// kernel: kernel.8.cloned.1.call-start
scs
__scs_entry_jumppad:
0x0: {  	(pc) =	sbr.rel $0x88, $3  }
0x1: {  	(tag) =	ssettag $0x0;
	lr =	simm.s32 $0x1  }
0x2: {  	[smem:$0x3F95] =	sst lr;
	_ =	strace $0xD0000000  }
0x3: {  	_ = 	snop  }
0x4: {  	_ = 	snop  }
0x5: {  	_ = 	snop  }
0x6: {  	_ = 	snop  }
0x7: {  	_ = 	snop  }
__scs_overlays_trampoline_lowered:
0x8: {  	[smem:$0x3FA4] =	sst s0  }
0x9: {  	[smem:$0x3FA5] =	sst s1  }
0xa: {  	[smem:$0x3FA6] =	sst s2  }
0xb: {  	[smem:$0x3FA7] =	sst s3  }
0xc: {  	[smem:$0x3FA8] =	sst s4  }
0xd: {  	[smem:$0x3FA9] =	sst s5  }
0xe: {  	[smem:$0x3FAA] =	sst s6  }
0xf: {  	[smem:$0x3FAB] =	sst s7  }
0x10: {  	[smem:$0x3FAC] =	sst s8  }
0x11: {  	[smem:$0x3FAD] =	sst s9;
	s0 =	simm.s32 @!p0 $0x0  }
0x12: {  	s1 =	sld [smem:$0x3F93];
	s0 =	simm.s32 @p0 $0x1  }
0x13: {  	[smem:$0x3FAE] =	sst s0;
	s0 =	simm.s32 @!p1 $0x0  }
0x14: {  	s2 =	sld [smem:$0x3F92];
	s0 =	simm.s32 @p1 $0x1  }
0x15: {  	[smem:$0x3FAF] =	sst s0;
	s0 =	simm.s32 @!p2 $0x0  }
0x16: {  	s3 =	sld [smem:$0x3FDB];
	s0 =	simm.s32 @p2 $0x1  }
0x17: {  	s4 =	simm.s32 $0x1BF5;
	[smem:$0x3FB1] =	sst s0  }
0x18: {  	s0 =	sld [smem:$0x3F94];
	_ =	swait.ge [sflag:s4], $0x0  }
0x19: {  	s7 =	sld [smem:$0x3F95]  }
0x1a: {  	s8 =	sadd.s32 $0xFFFFE003, lr  }
0x1b: {  	s9 =	sadd.s32 $0xFFFFFEF7, lr;
	s5 =	simm.s32 $0xFFFFFFFF;
	p2 =	slt.u32 s8, $0xFFFFF086  }
0x1c: {  	p1 =	slt.u32 s9, $0xF7A;
	s5 =	simm.s32 @!p2 $0x0  }
0x1d: {  	s5 =	simm.s32 @p1 $0x1;
	p0 =	seq.s32 s7, s2  }
0x1e: {  	s7 =	smul.u32 @!p0 $0xF7A, s2;
	p2 =	seq.s32 @!p0 s5, $0x0  }
0x1f: {  	s9 =	smul.u32 $0xF7A, s1;
	s8 =	simm.s32 @!p0 $0x1BF5;
	p2 =	por !p2, p0  }
0x20: {  	[sflag:s8] =	ssyncset.s32 @!p0 $0xFFFFF086;
	s6 =	sadd.s32 @!p0 s3, s7;
	s7 =	simm.s32 @!p0 $0x108  }
0x21: {  	s3 =	sadd.s32 s3, s9;
	s6 =	sadd.s32 @!p0 $0x88, s6;
	s7 =	simm.s32 @p2 $0x1082  }
0x22: {  	[simem:s7], [sflag:s8] =	dma.local @!p0 [hbm:s6], $0xF7A  }
0x23: {  	s9 =	sor.u32 $0xD0000000, s2;
	s6 =	simm.s32 $0x108;
	_ =	swait.ge @!p0 [sflag:s8], $0x0  }
0x24: {  	s3 =	sadd.s32 $0x88, s3;
	s6 =	simm.s32 @!p1 $0x1082;
	[sflag:s4] =	ssyncset.s32 $0xFFFFF086  }
0x25: {  	[simem:s6], [sflag:s4] =	dma.local [hbm:s3], $0xF7A  }
0x26: {  	[smem:$0x3F95] =	sst s1;
	(tag) =	ssettag s2;
	_ =	strace s9  }
0x27: {  	s1 =	sld [smem:$0x3FA5]  }
0x28: {  	s2 =	sld [smem:$0x3FA6]  }
0x29: {  	s4 =	sld [smem:$0x3FA8]  }
0x2a: {  	p0 =	seq.s32 s5, $0x0;
	s5 =	sld [smem:$0x3FA9]  }
0x2b: {  	s6 =	sld [smem:$0x3FAA]  }
0x2c: {  	s7 =	sld [smem:$0x3FAB]  }
0x2d: {  	s3 =	simm.s32 $0x108;
	s8 =	sld [smem:$0x3FAC]  }
0x2e: {  	s3 =	simm.s32 @!p0 $0x1082;
	s9 =	sld [smem:$0x3FAD]  }
0x2f: {  	lr =	sadd.s32 s0, s3;
	s0 =	sld [smem:$0x3FA4]  }
0x30: {  	s3 =	sld [smem:$0x3FA7]  }
0x31: {  	[smem:$0x3FB0] =	sst s10  }
0x32: {  	s10 =	sld [smem:$0x3FAE];
	_ =	sdelay $0x3  }
0x33: {  	p0 =	seq.s32 s10, $0x1;
	s10 =	sld [smem:$0x3FB0];
	_ =	sdelay $0x3  }
0x34: {  	[smem:$0x3FB0] =	sst s10  }
0x35: {  	s10 =	sld [smem:$0x3FAF];
	_ =	sdelay $0x3  }
0x36: {  	p1 =	seq.s32 s10, $0x1;
	s10 =	sld [smem:$0x3FB0];
	_ =	sdelay $0x3  }
0x37: {  	[smem:$0x3FB0] =	sst s10  }
0x38: {  	s10 =	sld [smem:$0x3FB1]  }
0x39: {  	_ = 	snop;
	(pc) =	sbr.ind lr, $3  }
0x3a: {  	_ = 	snop  }
0x3b: {  	_ = 	snop  }
0x3c: {  	p2 =	seq.s32 s10, $0x1;
	s10 =	sld [smem:$0x3FB0]  }
0x3d: {  	_ =	shalt  }
0x3e: {  	_ =	shalt  }
0x3f: {  	_ =	shalt  }
0x40: {  	_ =	shalt  }
0x41: {  	_ =	shalt  }
0x42: {  	_ =	shalt  }
0x43: {  	_ =	shalt  }
0x44: {  	_ =	shalt  }
0x45: {  	_ =	shalt  }
0x46: {  	_ =	shalt  }
0x47: {  	_ =	shalt  }
0x48: {  	_ =	shalt  }
0x49: {  	_ =	shalt  }
0x4a: {  	_ =	shalt  }
0x4b: {  	_ =	shalt  }
0x4c: {  	_ =	shalt  }
0x4d: {  	_ =	shalt  }
0x4e: {  	_ =	shalt  }
0x4f: {  	_ =	shalt  }
0x50: {  	_ =	shalt  }
0x51: {  	_ =	shalt  }
0x52: {  	_ =	shalt  }
0x53: {  	_ =	shalt  }
0x54: {  	_ =	shalt  }
0x55: {  	_ =	shalt  }
0x56: {  	_ =	shalt  }
0x57: {  	_ =	shalt  }
0x58: {  	_ =	shalt  }
0x59: {  	_ =	shalt  }
0x5a: {  	_ =	shalt  }
0x5b: {  	_ =	shalt  }
0x5c: {  	_ =	shalt  }
0x5d: {  	_ =	shalt  }
0x5e: {  	_ =	shalt  }
0x5f: {  	_ =	shalt  }
0x60: {  	_ =	shalt  }
0x61: {  	_ =	shalt  }
0x62: {  	_ =	shalt  }
0x63: {  	_ =	shalt  }
0x64: {  	_ =	shalt  }
0x65: {  	_ =	shalt  }
0x66: {  	_ =	shalt  }
0x67: {  	_ =	shalt  }
0x68: {  	_ =	shalt  }
0x69: {  	_ =	shalt  }
0x6a: {  	_ =	shalt  }
0x6b: {  	_ =	shalt  }
0x6c: {  	_ =	shalt  }
0x6d: {  	_ =	shalt  }
0x6e: {  	_ =	shalt  }
0x6f: {  	_ =	shalt  }
0x70: {  	_ =	shalt  }
0x71: {  	_ =	shalt  }
0x72: {  	_ =	shalt  }
0x73: {  	_ =	shalt  }
0x74: {  	_ =	shalt  }
0x75: {  	_ =	shalt  }
0x76: {  	_ =	shalt  }
0x77: {  	_ =	shalt  }
0x78: {  	_ =	shalt  }
0x79: {  	_ =	shalt  }
0x7a: {  	_ =	shalt  }
0x7b: {  	_ =	shalt  }
0x7c: {  	_ =	shalt  }
0x7d: {  	_ =	shalt  }
0x7e: {  	_ =	shalt  }
0x7f: {  	_ =	shalt  }
0x80: {  	_ =	shalt  }
0x81: {  	_ =	shalt  }
0x82: {  	_ =	shalt  }
0x83: {  	_ =	shalt  }
0x84: {  	_ =	shalt  }
0x85: {  	_ =	shalt  }
0x86: {  	_ =	shalt  }
0x87: {  	_ =	shalt  }
.Lfunc_end0:
.L_simem_size_0:
called_computation_lowered:
.L_overlay_start_0:
0x88: {  	s2 =	sld [smem:$0x3FD9]  }
0x89: {  	s3 =	sld [smem:$0x3FFE];
	_ =	sdelay $0x1  }
0x8a: {  	s1 =	srdreg.scid  }
0x8b: {  	s0 =	sand.u32 $0x1, s1  }
0x8c: {  	s17 =	sshll.u32 s0, $0xA;
	s2 =	sadd.s32 s3, s2  }
0x8d: {  	s2 =	sadd.s32 s2, s17  }
0x8e: {  	[smem:$0x3FBC] =	sst s2  }
0x8f: {  	_ = 	snop  }
0x90: {  	s2 =	sld [smem:$0x3FC9];
	(tm) =	ssettm $0x1  }
0x91: {  	s18 =	sld [smem:$0x3FFB];
	_ =	sdelay $0x3  }
0x92: {  	_ =	strace s18  }
0x93: {  	s3 =	sld [smem:$0x3FFC];
	_ =	sdelay $0x3  }
0x94: {  	_ =	strace s3  }
0x95: {  	s3 =	sld [smem:$0x3FFD];
	_ =	sdelay $0x3  }
0x96: {  	_ =	strace s3  }
0x97: {  	_ =	strace $0x8FFFFFFF  }
0x98: {  	s19 =	sld [smem:$0x3FDB];
	_ =	sdelay $0x1  }
0x99: {  	s4 =	simm.s32 $_scs_section_size  }
0x9a: {  	s5 =	simm.s32 $_size__tile_overlayer_lowered;
	s6 =	simm.s32 $_tile_overlayer_lowered  }
0x9b: {  	s22 =	simm.s32 $0x1BFF;
	s21 =	sshll.u32 s6, $0x1;
	s3 =	sadd.s32 s4, s19  }
0x9c: {  	s7 =	simm.s32 $0x0;
	s20 =	sshll.u32 s5, $0x1;
	s5 =	sadd.s32 s21, s3  }
0x9d: {  	[timem:s7], [sflag:s22] =	dma.local [hbm:s5], s20  }
0x9e: {  	_ =	swait.ge [sflag:s22], s20  }
0x9f: {  	s4 =	ssub.s32 $0x0, s20;
	[sflag:s22] =	ssyncset.done $0x0  }
0xa0: {  	[sflag:s22] =	ssyncadd.s32 s4;
	_ =	sdelay $0x1  }
0xa1: {  	s23 =	simm.s32 $0x1B8B  }
0xa2: {  	_ =	swait.ge [sflag:s23], $0x1  }
0xa3: {  	[sflag:s23] =	ssyncset.done $0x0  }
0xa4: {  	s25 =	simm.s32 $0x1B8E;
	s24 =	sld [smem:$0x3FFE];
	[sflag:s23] =	ssyncadd.s32 $0xFFFFFFFF  }
0xa5: {  	s26 =	simm.s32 $execute0_lowered;
	[smem:$0x3FD2] =	sst s25  }
0xa6: {  	s5 =	sshll.u32 s26, $0x1;
	_ =	strace $0x80000046;
	[dreg:$0x1] =	wrdreg $0xFFFFFFFF  }
0xa7: {  	s28 =	simm.s32 $_size_execute0_lowered;
	s3 =	sadd.s32 s3, s5;
	[dreg:$0x0] =	wrdreg $0x0  }
0xa8: {  	s5 =	sshll.u32 s28, $0x1;
	[dreg:$0x2] =	wrdreg s3  }
0xa9: {  	[dreg:$0x3] =	wrdreg s5  }
0xaa: {  	[dreg:$0x4] =	wrdreg $0xC0  }
0xab: {  	_ =	task [dreg:s7], $0x5FFFF  }
0xac: {  	[dreg:$0x1] =	wrdreg $0xFFFFFFFF  }
0xad: {  	[dreg:$0x0] =	wrdreg $0x60  }
0xae: {  	[dreg:$0x2] =	wrdreg s2  }
0xaf: {  	[dreg:$0x3] =	wrdreg s24  }
0xb0: {  	[dreg:$0x4] =	wrdreg $0xC7000  }
0xb1: {  	[dreg:$0x5] =	wrdreg $0x9  }
0xb2: {  	_ =	task.clear_ibuf [dreg:s7], $0x6FFFF;
	_ =	strace $0x90000046  }
0xb3: {  	s29 =	simm.s32 $0x9;
	_ =	strace $0x80000048  }
0xb4: {  	_ =	swait.ge [sflag:s29], $0x1  }
0xb5: {  	[sflag:s29] =	ssyncadd.s32 $0xFFFFFFFF  }
0xb6: {  	_ =	strace $0x90000048  }
0xb7: {  	_ =	sfence  }
0xb8: {  	s30 =	sld [smem:$0x0];
	_ =	sdelay $0x2  }
0xb9: {  	s31 =	sshll.u32 s1, $0xD;
	s1 =	sshrl.u32 s1, $0x2  }
0xba: {  	s3 =	sand.u32 $0x4000, s31;
	s1 =	sadd.s32 s1, s30  }
0xbb: {  	s0 =	sor.u32 s3, s0;
	s1 =	sshll.u32 s1, $0x11  }
0xbc: {  	s0 =	sor.u32 s1, s0  }
0xbd: {  	s0 =	sadd.s32 $0x8F2B, s0  }
0xbe: {  	[sflag:s0] =	ssyncadd.remote.s32 $0x1  }
0xbf: {  	_ =	sfence.sel $0xFFFF  }
0xc0: {  	[dreg:$0x0] =	wrdreg $0xFFFFFFFF;
	(pc) =	sbr.abs _section_cstart, $3  }
0xc1: {  	[dreg:$0x1] =	wrdreg $0xFFFFFFFF  }
0xc2: {  	_ =	task.clear_ibuf [dreg:s7], $0x2FFFF;
	_ =	strace $0x9FFFFFFF  }
0xc3: {  	(tm) =	ssettm $0x7FFFFFFF  }
tec
execute0_lowered:
.L_overlay_start_1:
0x0: {  	(tag) =	ssettag $0x1  }
0x1: {  	s0 =	srdreg.scid;
	s1 =	rddreg [dreg:$0x0]  }
0x2: {  	s20 =	stileid.u32;
	s4 =	rddreg [dreg:$0x1]  }
0x3: {  	s3 =	rddreg [dreg:$0x2];
	s5 =	simm.s32 $0x0;
	s19 =	simm.s32 $0x2780  }
0x4: {  	s21 =	simm.s32 $0x2;
	s22 =	simm.s32 $0x4F00;
	s23 =	simm.s32 $0x7  }
0x5: {  	s24 =	simm.s32 $0x50;
	s28 =	simm.s32 $0x9F00;
	s30 =	simm.s32 $0x4  }
0x6: {  	s29 =	simm.s32 $0x0;
	s0 =	sand.u32 $0x1, s0;
	s25 =	smul.u32 $0x4E000, s20  }
0x7: {  	s2 =	sshll.u32 s20, $0x1;
	[smem:$0x7FF] =	sst s5;
	s31 =	smul.u32 $0x13800, s20  }
0x8: {  	s15 =	sadd.s32 $0x138000, s3;
	p0 =	sne.s32 s20, $0x0;
	s20 =	simm.s32 $0x1  }
0x9: {  	s2 =	sor.u32 s0, s2;
	_ =	strace $0x80000047;
	s6 =	ssub.s32 $0x2, s0  }
0xa: {  	s2 =	smul.u32 $0x2710, s2;
	s7 =	sshrl.u32 s6, $0x1;
	s8 =	sshrl.u32 s25, $0x2  }
0xb: {  	s0 =	smul.u32 $0x138800, s0;
	s18 =	ssub.s32 s6, s7;
	s6 =	sadd.s32 s8, s3  }
0xc: {  	s25 =	simm.s32 $0x7700;
	s2 =	sshrl.u32 s2, $0x3;
	s8 =	sadd.s32 $0x2800, s6  }
0xd: {  	s9 =	sadd.s32 $0x5000, s6;
	s10 =	sadd.s32 $0x7800, s6;
	s11 =	sadd.s32 $0xA000, s6  }
0xe: {  	s12 =	sadd.s32 $0xC800, s6;
	s13 =	sadd.s32 $0xF000, s6;
	s14 =	sadd.s32 $0x11800, s6  }
0xf: {  	s18 =	smax.u32 s18, $0x1;
	s2 =	sadd.s32 s2, s4;
	s4 =	sadd.s32 $0x16A00, s4  }
0x10: {  	s26 =	sadd.s32 $0x3000, s2;
	s7 =	sadd.s32 $0xCC40, s2;
	s2 =	sadd.s32 s31, s0  }
0x11: {  	s0 =	sshrl.u32 s0, $0x3;
	[dreg:$0x4] =	wrdreg s26;
	s2 =	sshrl.u32 s2, $0x3  }
0x12: {  	s0 =	sadd.s32 s4, s0;
	s26 =	simm.s32 $0x6;
	s16 =	sadd.s32 s4, s2  }
0x13: {  	v0 =	vimm.f32 $0.0e+00;
	s17 =	sadd.s32 $0x27000, s0;
	s2 =	simm.s32 $0x3;
	s0 =	simm.s32 $0x5  }
.LBB2_1:
0x14: {  	s4 =	simm.s32 $0x0;
	s5 =	rddreg [dreg:$0x4]  }
0x15: {  	[tilespmem:s4], [sflag:$0x1] =	stream.linear.gather [hbm4b:s5+s4], $0x2710, $0x38;
	[tilespmem:$0x1FF80] =	vst v63  }
0x16: {  	_ = 	snop  }
0x17: {  	[tilespmem:s19], [sflag:$0x2] =	stream.linear.gather [hbm4b:s7+s4], $0x2710, $0x38;
	[tilespmem:$0x1FF80] =	vst v63  }
0x18: {  	s31 =	simm.s32 $0x0;
	s4 =	simm.s32 $0x200  }
.LBB2_2:
0x19: {  	p1 =	sne.s32 s4, $0x9E00;
	[tilespmem:s31+$0x4F70] =	vst v0  }
0x1a: {  	[tilespmem:s31+$0x4F00] =	vst v0  }
0x1b: {  	[tilespmem:s31+$0x4F10] =	vst v0  }
.Ltmp0:
0x1c: {  	[tilespmem:s31+$0x4F20] =	vst v0;
	(pc) =	sbr.rel @p1 .LBB2_2-.Ltmp0, $4  }
0x1d: {  	[tilespmem:s31+$0x4F30] =	vst v0  }
0x1e: {  	[tilespmem:s31+$0x4F40] =	vst v0  }
0x1f: {  	[tilespmem:s31+$0x4F50] =	vst v0  }
0x20: {  	[tilespmem:s31+$0x4F60] =	vst v0;
	s31 =	sshra.s32 s4, $0x2;
	s4 =	sadd.s32 $0x200, s4  }
0x21: {  	[tilespmem:s31+$0x4F70] =	vst v0  }
0x22: {  	[tilespmem:s31+$0x4F00] =	vst v0  }
0x23: {  	[tilespmem:s31+$0x4F10] =	vst v0  }
0x24: {  	[tilespmem:s31+$0x4F20] =	vst v0  }
0x25: {  	[tilespmem:s31+$0x4F30] =	vst v0  }
0x26: {  	[tilespmem:s31+$0x4F40] =	vst v0  }
0x27: {  	[tilespmem:s31+$0x4F50] =	vst v0  }
0x28: {  	[tilespmem:s31+$0x4F60] =	vst v0  }
0x29: {  	_ =	swait.ge [sflag:s20], $0x2710  }
0x2a: {  	[sflag:s20] =	ssyncset.done $0x0  }
0x2b: {  	[sflag:s20] =	ssyncadd.s32 $0xFFFFD8F0  }
0x2c: {  	_ =	swait.ge [sflag:s21], $0x2710  }
0x2d: {  	[sflag:s21] =	ssyncset.done $0x0  }
0x2e: {  	[sflag:s21] =	ssyncadd.s32 $0xFFFFD8F0  }
0x2f: {  	[spmem:s6] =	stream.linear.scatter [tilespmem:s22], [sflag:$0x7], $0x2800, $0x38;
	[tilespmem:$0x1FF80] =	vst v63  }
0x30: {  	_ =	swait.ge [sflag:s23], $0x2800  }
0x31: {  	[sflag:s23] =	ssyncset.done $0x0  }
0x32: {  	[sflag:s23] =	ssyncadd.s32 $0xFFFFD800  }
0x33: {  	[spmem:s8] =	stream.linear.scatter [tilespmem:s22], [sflag:$0x7], $0x2800, $0x38;
	[tilespmem:$0x1FF80] =	vst v63  }
0x34: {  	_ =	swait.ge [sflag:s23], $0x2800  }
0x35: {  	[sflag:s23] =	ssyncset.done $0x0  }
0x36: {  	[sflag:s23] =	ssyncadd.s32 $0xFFFFD800  }
0x37: {  	[spmem:s9] =	stream.linear.scatter [tilespmem:s22], [sflag:$0x7], $0x2800, $0x38;
	[tilespmem:$0x1FF80] =	vst v63  }
0x38: {  	_ =	swait.ge [sflag:s23], $0x2800  }
0x39: {  	[sflag:s23] =	ssyncset.done $0x0  }
0x3a: {  	[sflag:s23] =	ssyncadd.s32 $0xFFFFD800  }
0x3b: {  	[spmem:s10] =	stream.linear.scatter [tilespmem:s22], [sflag:$0x7], $0x2800, $0x38;
	[tilespmem:$0x1FF80] =	vst v63  }
0x3c: {  	_ =	swait.ge [sflag:s23], $0x2800  }
0x3d: {  	[sflag:s23] =	ssyncset.done $0x0  }
0x3e: {  	[sflag:s23] =	ssyncadd.s32 $0xFFFFD800  }
0x3f: {  	[spmem:s11] =	stream.linear.scatter [tilespmem:s22], [sflag:$0x7], $0x2800, $0x38;
	[tilespmem:$0x1FF80] =	vst v63  }
0x40: {  	_ =	swait.ge [sflag:s23], $0x2800  }
0x41: {  	[sflag:s23] =	ssyncset.done $0x0  }
0x42: {  	[sflag:s23] =	ssyncadd.s32 $0xFFFFD800  }
0x43: {  	[spmem:s12] =	stream.linear.scatter [tilespmem:s22], [sflag:$0x7], $0x2800, $0x38;
	[tilespmem:$0x1FF80] =	vst v63  }
0x44: {  	_ =	swait.ge [sflag:s23], $0x2800  }
0x45: {  	[sflag:s23] =	ssyncset.done $0x0  }
0x46: {  	[sflag:s23] =	ssyncadd.s32 $0xFFFFD800  }
0x47: {  	[spmem:s13] =	stream.linear.scatter [tilespmem:s22], [sflag:$0x7], $0x2800, $0x38;
	[tilespmem:$0x1FF80] =	vst v63  }
0x48: {  	_ =	swait.ge [sflag:s23], $0x2800  }
0x49: {  	[sflag:s23] =	ssyncset.done $0x0  }
0x4a: {  	[sflag:s23] =	ssyncadd.s32 $0xFFFFD800  }
0x4b: {  	[spmem:s14] =	stream.linear.scatter [tilespmem:s22], [sflag:$0x7], $0x2000, $0x38;
	[tilespmem:$0x1FF80] =	vst v63  }
0x4c: {  	_ =	swait.ge [sflag:s23], $0x2000  }
0x4d: {  	[sflag:s23] =	ssyncset.done $0x0  }
0x4e: {  	s4 =	simm.s32 @!p0 $0x4F00;
	[sflag:s23] =	ssyncadd.s32 $0xFFFFE000  }
0x4f: {  	[spmem:s15] =	stream.linear.scatter @!p0 [tilespmem:s4], [sflag:$0x7], $0x800, $0x38;
	[tilespmem:$0x1FF80] =	vst v63  }
0x50: {  	s4 =	simm.s32 @!p0 $0x7  }
0x51: {  	_ =	swait.ge @!p0 [sflag:s4], $0x800  }
0x52: {  	[sflag:s4] =	ssyncset.done @!p0 $0x0  }
0x53: {  	[sflag:s4] =	ssyncadd.s32 @!p0 $0xFFFFF800  }
0x54: {  	s5 =	simm.s32 $0x0;
	[bflag:$0x0] =	sbarrier.arrive $0xFFFF  }
0x55: {  	[tilespmem:s22], [sflag:$0x1] =	stream.indirect.gather [hbm4b:s1+s24], $0x80, s5, s24, $0xb8;
	[tilespmem:$0x1FF80] =	vst v63  }
0x56: {  	_ = 	snop  }
0x57: {  	[tilespmem:s25], [sflag:$0x2] =	stream.indirect.gather [hbm4b:s1+s24], $0x80, s24, s24, $0xb8;
	[tilespmem:$0x1FF80] =	vst v63  }
0x58: {  	_ =	swait.ge [sflag:s20], $0x2800  }
0x59: {  	[sflag:s20] =	ssyncset.done $0x0  }
0x5a: {  	[sflag:s20] =	ssyncadd.s32 $0xFFFFD800  }
0x5b: {  	[spmem:s3] =	stream.indirect.scatter.add.f32 [tilespmem:s22], [sflag:$0x4], $0x80, s19, s24, $0xb8;
	[tilespmem:$0x1FF80] =	vst v63  }
0x5c: {  	s5 =	simm.s32 $0xA0  }
0x5d: {  	[tilespmem:s28], [sflag:$0x3] =	stream.indirect.gather [hbm4b:s1+s24], $0x80, s5, s24, $0xb8;
	[tilespmem:$0x1FF80] =	vst v63  }
0x5e: {  	_ =	swait.ge [sflag:s21], $0x2800  }
0x5f: {  	[sflag:s21] =	ssyncset.done $0x0  }
0x60: {  	s5 =	simm.s32 $0x27D0;
	[sflag:s21] =	ssyncadd.s32 $0xFFFFD800  }
0x61: {  	[spmem:s3] =	stream.indirect.scatter.add.f32 [tilespmem:s25], [sflag:$0x5], $0x80, s5, s24, $0xb8;
	[tilespmem:$0x1FF80] =	vst v63  }
0x62: {  	_ =	swait.ge [sflag:s30], $0x2800  }
0x63: {  	[sflag:s30] =	ssyncset.done $0x0  }
0x64: {  	s5 =	simm.s32 $0xF0;
	[sflag:s30] =	ssyncadd.s32 $0xFFFFD800  }
0x65: {  	[tilespmem:s22], [sflag:$0x1] =	stream.indirect.gather [hbm4b:s1+s24], $0x80, s5, s24, $0xb8;
	[tilespmem:$0x1FF80] =	vst v63  }
0x66: {  	_ =	swait.ge [sflag:s2], $0x2800  }
0x67: {  	[sflag:s2] =	ssyncset.done $0x0  }
0x68: {  	s5 =	simm.s32 $0x2820;
	[sflag:s2] =	ssyncadd.s32 $0xFFFFD800  }
0x69: {  	[spmem:s3] =	stream.indirect.scatter.add.f32 [tilespmem:s28], [sflag:$0x6], $0x80, s5, s24, $0xb8;
	[tilespmem:$0x1FF80] =	vst v63  }
0x6a: {  	_ =	swait.ge [sflag:s0], $0x2800  }
0x6b: {  	[sflag:s0] =	ssyncset.done $0x0  }
0x6c: {  	s5 =	simm.s32 $0x140;
	[sflag:s0] =	ssyncadd.s32 $0xFFFFD800  }
0x6d: {  	[tilespmem:s25], [sflag:$0x2] =	stream.indirect.gather [hbm4b:s1+s24], $0x80, s5, s24, $0xb8;
	[tilespmem:$0x1FF80] =	vst v63  }
0x6e: {  	_ =	swait.ge [sflag:s20], $0x2800  }
0x6f: {  	[sflag:s20] =	ssyncset.done $0x0  }
0x70: {  	s5 =	simm.s32 $0x2870;
	[sflag:s20] =	ssyncadd.s32 $0xFFFFD800  }
0x71: {  	[spmem:s3] =	stream.indirect.scatter.add.f32 [tilespmem:s22], [sflag:$0x4], $0x80, s5, s24, $0xb8;
	[tilespmem:$0x1FF80] =	vst v63  }
0x72: {  	_ =	swait.ge [sflag:s26], $0x2800  }
0x73: {  	[sflag:s26] =	ssyncset.done $0x0  }
0x74: {  	s5 =	simm.s32 $0x190;
	[sflag:s26] =	ssyncadd.s32 $0xFFFFD800  }
0x75: {  	[tilespmem:s28], [sflag:$0x3] =	stream.indirect.gather [hbm4b:s1+s24], $0x80, s5, s24, $0xb8;
	[tilespmem:$0x1FF80] =	vst v63  }
0x76: {  	_ =	swait.ge [sflag:s21], $0x2800  }
0x77: {  	[sflag:s21] =	ssyncset.done $0x0  }
0x78: {  	s5 =	simm.s32 $0x28C0;
	[sflag:s21] =	ssyncadd.s32 $0xFFFFD800  }
0x79: {  	[spmem:s3] =	stream.indirect.scatter.add.f32 [tilespmem:s25], [sflag:$0x5], $0x80, s5, s24, $0xb8;
	[tilespmem:$0x1FF80] =	vst v63  }
0x7a: {  	_ =	swait.ge [sflag:s30], $0x2800  }
0x7b: {  	[sflag:s30] =	ssyncset.done $0x0  }
0x7c: {  	s31 =	simm.s32 $0x3C0;
	s4 =	simm.s32 $0x1E0;
	[sflag:s30] =	ssyncadd.s32 $0xFFFFD800  }
.LBB2_4:
0x7d: {  	[tilespmem:s22], [sflag:$0x1] =	stream.indirect.gather [hbm4b:s1+s24], $0x80, s4, s24, $0xb8;
	[tilespmem:$0x1FF80] =	vst v63  }
0x7e: {  	s4 =	smov.u32 s31  }
0x7f: {  	p1 =	sne.s32 s31, $0x9240;
	s31 =	sadd.s32 $0x3C0, s31;
	_ =	swait.ge [sflag:s2], $0x2800  }
0x80: {  	s4 =	sshra.s32 s4, $0x2;
	[sflag:s2] =	ssyncset.done $0x0  }
0x81: {  	s5 =	sadd.s32 $0x2820, s4;
	[sflag:s2] =	ssyncadd.s32 $0xFFFFD800  }
0x82: {  	[spmem:s3] =	stream.indirect.scatter.add.f32 [tilespmem:s28], [sflag:$0x6], $0x80, s5, s24, $0xb8;
	[tilespmem:$0x1FF80] =	vst v63  }
0x83: {  	_ =	swait.ge [sflag:s0], $0x2800  }
0x84: {  	[sflag:s0] =	ssyncset.done $0x0  }
0x85: {  	s5 =	sadd.s32 $0x140, s4;
	[sflag:s0] =	ssyncadd.s32 $0xFFFFD800  }
0x86: {  	[tilespmem:s25], [sflag:$0x2] =	stream.indirect.gather [hbm4b:s1+s24], $0x80, s5, s24, $0xb8;
	[tilespmem:$0x1FF80] =	vst v63  }
0x87: {  	_ =	swait.ge [sflag:s20], $0x2800  }
0x88: {  	[sflag:s20] =	ssyncset.done $0x0  }
0x89: {  	s5 =	sadd.s32 $0x2870, s4;
	[sflag:s20] =	ssyncadd.s32 $0xFFFFD800  }
0x8a: {  	[spmem:s3] =	stream.indirect.scatter.add.f32 [tilespmem:s22], [sflag:$0x4], $0x80, s5, s24, $0xb8;
	[tilespmem:$0x1FF80] =	vst v63  }
0x8b: {  	_ =	swait.ge [sflag:s26], $0x2800  }
0x8c: {  	[sflag:s26] =	ssyncset.done $0x0  }
0x8d: {  	s5 =	sadd.s32 $0x190, s4;
	[sflag:s26] =	ssyncadd.s32 $0xFFFFD800  }
0x8e: {  	[tilespmem:s28], [sflag:$0x3] =	stream.indirect.gather [hbm4b:s1+s24], $0x80, s5, s24, $0xb8;
	[tilespmem:$0x1FF80] =	vst v63  }
0x8f: {  	_ =	swait.ge [sflag:s21], $0x2800  }
0x90: {  	[sflag:s21] =	ssyncset.done $0x0  }
.Ltmp1:
0x91: {  	s5 =	sadd.s32 $0x28C0, s4;
	[sflag:s21] =	ssyncadd.s32 $0xFFFFD800;
	(pc) =	sbr.rel @p1 .LBB2_4-.Ltmp1, $4  }
0x92: {  	[spmem:s3] =	stream.indirect.scatter.add.f32 [tilespmem:s25], [sflag:$0x5], $0x80, s5, s24, $0xb8;
	[tilespmem:$0x1FF80] =	vst v63  }
0x93: {  	_ =	swait.ge [sflag:s30], $0x2800  }
0x94: {  	[sflag:s30] =	ssyncset.done $0x0  }
0x95: {  	s4 =	sadd.s32 $0x1E0, s4;
	[sflag:s30] =	ssyncadd.s32 $0xFFFFD800  }
0x96: {  	[tilespmem:s22], [sflag:$0x1] =	stream.indirect.gather [hbm4b:s1+s24], $0x80, s4, s24, $0xb8;
	[tilespmem:$0x1FF80] =	vst v63  }
0x97: {  	_ =	swait.ge [sflag:s2], $0x2800  }
0x98: {  	[sflag:s2] =	ssyncset.done $0x0  }
0x99: {  	s31 =	simm.s32 $0x4DA0;
	[sflag:s2] =	ssyncadd.s32 $0xFFFFD800  }
0x9a: {  	[spmem:s3] =	stream.indirect.scatter.add.f32 [tilespmem:s28], [sflag:$0x6], $0x80, s31, s24, $0xb8;
	[tilespmem:$0x1FF80] =	vst v63  }
0x9b: {  	_ =	swait.ge [sflag:s0], $0x2800  }
0x9c: {  	[sflag:s0] =	ssyncset.done $0x0  }
0x9d: {  	s5 =	simm.s32 $0x26C0;
	[sflag:s0] =	ssyncadd.s32 $0xFFFFD800  }
0x9e: {  	[tilespmem:s25], [sflag:$0x2] =	stream.indirect.gather [hbm4b:s1+s24], $0x80, s5, s24, $0xb8;
	[tilespmem:$0x1FF80] =	vst v63  }
0x9f: {  	_ =	swait.ge [sflag:s20], $0x2800  }
0xa0: {  	[sflag:s20] =	ssyncset.done $0x0  }
0xa1: {  	s31 =	simm.s32 $0x4DF0;
	[sflag:s20] =	ssyncadd.s32 $0xFFFFD800  }
0xa2: {  	[spmem:s3] =	stream.indirect.scatter.add.f32 [tilespmem:s22], [sflag:$0x4], $0x80, s31, s24, $0xb8;
	[tilespmem:$0x1FF80] =	vst v63  }
0xa3: {  	_ =	swait.ge [sflag:s26], $0x2800  }
0xa4: {  	[sflag:s26] =	ssyncset.done $0x0  }
0xa5: {  	[sflag:s26] =	ssyncadd.s32 $0xFFFFD800  }
0xa6: {  	_ =	swait.ge [sflag:s21], $0x2800  }
0xa7: {  	[sflag:s21] =	ssyncset.done $0x0  }
0xa8: {  	s5 =	simm.s32 $0x4E40;
	[sflag:s21] =	ssyncadd.s32 $0xFFFFD800  }
0xa9: {  	[spmem:s3] =	stream.indirect.scatter.add.f32 [tilespmem:s25], [sflag:$0x5], $0x80, s5, s24, $0xb8;
	[tilespmem:$0x1FF80] =	vst v63  }
0xaa: {  	_ =	swait.ge [sflag:s30], $0x2800  }
0xab: {  	[sflag:s30] =	ssyncset.done $0x0  }
0xac: {  	[sflag:s30] =	ssyncadd.s32 $0xFFFFD800  }
0xad: {  	_ =	swait.ge [sflag:s0], $0x2800  }
0xae: {  	s31 =	stileid.u32;
	[sflag:s0] =	ssyncset.done $0x0  }
0xaf: {  	s4 =	sshll.u32 s31, $0x6;
	[sflag:s0] =	ssyncadd.s32 $0xFFFFD800  }
0xb0: {  	s4 =	sor.u32 $0x1C07, s4;
	s5 =	sshrl.u32 s6, $0x3;
	[bflag:$0x0] =	sbarrier.arrive $0xFFFF  }
0xb1: {  	[hbm:s16], [sflag:s4] =	dma.local [spmem:s5], $0x2700  }
0xb2: {  	_ =	swait.ge [sflag:s23], $0x2700  }
0xb3: {  	s29 =	sadd.s32 $0x1, s29;
	[sflag:s23] =	ssyncset.done $0x0  }
0xb4: {  	p1 =	sne.s32 s29, s18;
	s5 =	sshrl.u32 @!p0 s15, $0x3;
	[sflag:s23] =	ssyncadd.s32 $0xFFFFD900  }
0xb5: {  	[hbm:s17], [sflag:s4] =	dma.local @!p0 [spmem:s5], $0x100  }
.Ltmp2:
0xb6: {  	_ = 	snop;
	(pc) =	sbr.rel @p1 .LBB2_1-.Ltmp2, $4  }
0xb7: {  	s4 =	simm.s32 @!p0 $0x7  }
0xb8: {  	_ =	swait.ge @!p0 [sflag:s4], $0x100  }
0xb9: {  	[sflag:s4] =	ssyncset.done @!p0 $0x0  }
0xba: {  	[sflag:s4] =	ssyncadd.s32 @!p0 $0xFFFFFF00  }
0xbb: {  	_ =	sfence.sel $0x180000  }
0xbc: {  	[bflag:$0x0] =	sbarrier.arrive $0xFFFF  }
0xbd: {  	_ =	strace $0x90000047  }
0xbe: {  	[bflag:$0x2] =	sbarrier.arrive $0xFFFF  }
0xbf: {  	s0 =	rddreg [dreg:$0x3]  }
0xc0: {  	s0 =	sadd.s32 @!p0 $0x100000, s0  }
0xc1: {  	[sflag:s0] =	ssyncadd.tile.s32 @!p0 $0x1;
	_ =	shalt  }
.Lfunc_end2:
_tile_overlayer_lowered:
.L_overlay_start_2:
0xc2: {  	(tag) =	ssettag $0x2  }
0xc3: {  	s0 =	rddreg [dreg:$0x0];
	s2 =	stileid.u32  }
0xc4: {  	s1 =	rddreg [dreg:$0x1];
	p0 =	sne.s32 s2, $0x0  }
0xc5: {  	s3 =	rddreg [dreg:$0x2];
	[bflag:$0x3] =	sbarrier.arrive $0xFFFF;
	s2 =	simm.s32 @!p0 $0x1C07  }
0xc6: {  	[timem:s3], [sflag:s2] =	dma.local @!p0 [hbm:s0], s1  }
0xc7: {  	s0 =	simm.s32 @!p0 $0x7  }
0xc8: {  	_ =	swait.ge @!p0 [sflag:s0], s1  }
0xc9: {  	s1 =	ssub.s32 @!p0 $0x0, s1;
	[sflag:s0] =	ssyncset.done @!p0 $0x0  }
0xca: {  	[sflag:s0] =	ssyncadd.s32 @!p0 s1  }
0xcb: {  	[bflag:$0x3] =	sbarrier.arrive $0xFFFF  }
0xcc: {  	_ =	shalt  }

</sc_bundles>
